<compile_context>
chip_gen: v7x
topology: tpu7x:2x2x1
jax: 0.10.2.dev20260603
libtpu: 0.0.44.dev20260713+nightly
codegen_flags: <defaults>
</compile_context>

<pallas_src>
import functools

import jax
import jax.numpy as jnp
from jax import lax
from jax.experimental import pallas as pl
from jax.experimental.pallas import tpu as pltpu
from jax.experimental.pallas import tpu_sc as plsc

N_NODES = 100000
N_EDGES = 1600000
IN_FEA = 128
RANK = 32

NC, NS = 2, 16
NP = 100096
PT = NP // NS
BLK_ROWS = 8
E_PAD = 1605632
IDX_ROWS = E_PAD // 128
ROWS_PER_CORE = IDX_ROWS // NC
ROWS_PER_TILE = ROWS_PER_CORE // NS
N_BLOCKS = ROWS_PER_TILE // BLK_ROWS
A_BLK = 1024
A_GRID = (N_NODES + A_BLK - 1) // A_BLK


def _stage_a(x_ref, w_ref, t0, t1, t2, t3):
    feat = jnp.dot(x_ref[...], w_ref[...], preferred_element_type=jnp.float32)
    mag = jnp.abs(feat)
    logmag = jnp.where(mag > 0.0, jnp.log2(mag), -1e30)
    signbias = jnp.where(feat < 0.0, 3.0, 2.0).astype(jnp.float32)
    t0[...] = logmag[:, :16]
    t1[...] = logmag[:, 16:]
    t2[...] = signbias[:, :16]
    t3[...] = signbias[:, 16:]


BLK_E = BLK_ROWS * 128


def _sc_accumulate(t0, t1, t2, t3, src1d, dst1d, zeros_h, a_out,
                   idx_s, idx_d, rows, acc, gsem, ssem):
    cid = lax.axis_index("c")
    sid = lax.axis_index("s")
    tables = (t0, t1, t2, t3)
    own = pl.ds(sid * PT, PT)
    tile_rb = cid * ROWS_PER_CORE + sid * ROWS_PER_TILE
    for r in range(4):
        pltpu.sync_copy(zeros_h.at[own], acc.at[own])
        plsc.subcore_barrier()

        def block_body(b, carry, r=r):
            eb = tile_rb * 128 + b * BLK_E
            pltpu.sync_copy(src1d.at[pl.ds(eb, BLK_E)], idx_s)
            pltpu.sync_copy(dst1d.at[pl.ds(eb, BLK_E)], idx_d)
            pltpu.async_copy(tables[r].at[idx_s], rows, gsem).wait()
            pltpu.async_copy(rows, acc.at[idx_d], ssem, add=True).wait()
            return carry

        lax.fori_loop(0, N_BLOCKS, block_body, 0)
        plsc.subcore_barrier()
        base = (r * NC + cid) * NP + sid * PT
        pltpu.sync_copy(acc.at[own], a_out.at[pl.ds(base, PT)])
        plsc.subcore_barrier()


def _stage_c(a_ref, norm_ref, vt_ref, out_ref):
    a = a_ref[...]
    s = a[:, 0, :, :] + a[:, 1, :, :]
    lsum = jnp.concatenate([s[0], s[1]], axis=1)
    bsum = jnp.concatenate([s[2], s[3]], axis=1)
    mag = jnp.exp2(lsum)
    parity = bsum - 2.0 * jnp.floor(bsum * 0.5)
    sign = 1.0 - 2.0 * parity
    neigh = jnp.where(bsum > 0.5, mag * sign, 0.0)
    trans = norm_ref[...][:, None] * neigh
    out_ref[...] = jnp.dot(trans, vt_ref[...],
                           preferred_element_type=jnp.float32)


@jax.jit
def kernel(x, edge_index, norm, W, V):
    t0, t1, t2, t3 = pl.pallas_call(
        _stage_a,
        grid=(A_GRID,),
        in_specs=[
            pl.BlockSpec((A_BLK, IN_FEA), lambda i: (i, 0)),
            pl.BlockSpec((IN_FEA, RANK), lambda i: (0, 0)),
        ],
        out_specs=[pl.BlockSpec((A_BLK, 16), lambda i: (i, 0))] * 4,
        out_shape=[jax.ShapeDtypeStruct((N_NODES, 16), jnp.float32)] * 4,
    )(x, W)

    src = edge_index[0]
    dst = edge_index[1]
    pad = E_PAD - N_EDGES
    src_p = jnp.concatenate([src, jnp.zeros((pad,), jnp.int32)])
    dst_p = jnp.concatenate([dst, jnp.full((pad,), N_NODES, jnp.int32)])
    zeros_h = jnp.zeros((NP, 16), jnp.float32)

    sc = pl.kernel(
        _sc_accumulate,
        out_type=jax.ShapeDtypeStruct((4 * NC * NP, 16), jnp.float32),
        mesh=plsc.VectorSubcoreMesh(core_axis_name="c", subcore_axis_name="s"),
        compiler_params=pltpu.CompilerParams(use_tc_tiling_on_sc=False),
        scratch_types=[
            pltpu.VMEM((BLK_E,), jnp.int32),
            pltpu.VMEM((BLK_E,), jnp.int32),
            pltpu.VMEM((BLK_E, 16), jnp.float32),
            pltpu.VMEM_SHARED((NP, 16), jnp.float32),
            pltpu.SemaphoreType.DMA,
            pltpu.SemaphoreType.DMA,
        ],
    )
    a_flat = sc(t0, t1, t2, t3, src_p, dst_p, zeros_h)
    a4 = a_flat.reshape(4, NC, NP, 16)

    out = pl.pallas_call(
        _stage_c,
        grid=(A_GRID,),
        in_specs=[
            pl.BlockSpec((4, NC, A_BLK, 16), lambda i: (0, 0, i, 0)),
            pl.BlockSpec((A_BLK,), lambda i: (i,)),
            pl.BlockSpec((RANK, IN_FEA), lambda i: (0, 0)),
        ],
        out_specs=pl.BlockSpec((A_BLK, IN_FEA), lambda i: (i, 0)),
        out_shape=jax.ShapeDtypeStruct((N_NODES, IN_FEA), jnp.float32),
    )(a4, norm.reshape(-1), V.T)
    return out

# --- scband reference (transcript-rebuilt; emitter-appended) ---
"""Pipeline reference for scband-cplayer-90082644066621 (READ-ONLY COPY).

The authoritative reference and input builder live on the scoring server;
editing this copy changes nothing except your own understanding.
"""

import jax, jax.numpy as jnp
import numpy as np

N = 100000
E = 1600000
IN_FEA = 128
HIDDEN = 128
RANK = 32

def setup_inputs(seed: int = 0):
    key = jax.random.key(seed)
    k1, k2, k3, k4, k5 = jax.random.split(key, 5)
    stdv = 1.0 / np.sqrt(HIDDEN)
    x = jax.random.normal(k1, (N, IN_FEA), dtype=jnp.float32)
    edge_index = jax.random.randint(k2, (2, E), 0, N, dtype=jnp.int32)
    norm = jax.random.uniform(k3, (N, 1), dtype=jnp.float32)
    W = jax.random.uniform(k4, (IN_FEA, RANK), minval=-stdv, maxval=stdv, dtype=jnp.float32)
    V = jax.random.uniform(k5, (HIDDEN, RANK), minval=-stdv, maxval=stdv, dtype=jnp.float32)
    return {"x": x, "edge_index": edge_index, "norm": norm, "W": W, "V": V}

def reference(x, edge_index, norm, W, V):
    # feat_src = feat_dst = x @ W
    feat = x @ W
    src = edge_index[0]
    dst = edge_index[1]
    # copy_src('h','m'): gather source features along edges
    msgs = jnp.take(feat, src, axis=0)
    # _elementwise_product: product of incoming messages per dst node
    neigh = jax.ops.segment_prod(msgs, dst, num_segments=N)
    # DGL leaves zeros for nodes with no incoming messages
    deg = jax.ops.segment_sum(jnp.ones((E,), dtype=jnp.float32), dst, num_segments=N)
    neigh = jnp.where((deg > 0)[:, None], neigh, 0.0)
    trans = norm * neigh
    out = trans @ V.T
    return out

if __name__ == "__main__":
    import jax
    _d = setup_inputs()
    print(jax.jit(kernel)(*tuple(_d.values())))

</pallas_src>

<mosaic_0001>
#map = affine_map<(d0, d1) -> (0, 0)>
#map1 = affine_map<(d0, d1) -> (0)>
module attributes {stable_mosaic.version = 14 : i64} {
  func.func @_sc_accumulate(%arg0: i32, %arg1: i32, %arg2: memref<100000x16xf32, #tpu.memory_space<hbm>>, %arg3: memref<100000x16xf32, #tpu.memory_space<hbm>>, %arg4: memref<100000x16xf32, #tpu.memory_space<hbm>>, %arg5: memref<100000x16xf32, #tpu.memory_space<hbm>>, %arg6: memref<1605632xi32, #tpu.memory_space<hbm>>, %arg7: memref<1605632xi32, #tpu.memory_space<hbm>>, %arg8: memref<100096x16xf32, #tpu.memory_space<hbm>>, %arg9: memref<800768x16xf32, #tpu.memory_space<hbm>>, %arg10: memref<1024xi32, #tpu.memory_space<vmem>>, %arg11: memref<1024xi32, #tpu.memory_space<vmem>>, %arg12: memref<1024x16xf32, #tpu.memory_space<vmem>>, %arg13: memref<100096x16xf32, #tpu.memory_space<vmem_shared>>, %arg14: memref<!tpu.dma_semaphore, #tpu.memory_space<semaphore_mem>>, %arg15: memref<!tpu.dma_semaphore, #tpu.memory_space<semaphore_mem>>) attributes {dimension_semantics = [#tpu.dimension_semantics<core_parallel>, #tpu.dimension_semantics<subcore_parallel>], iteration_bounds = array<i64: 2, 16>, scalar_prefetch = 0 : i64, scratch_operands = 6 : i64, tpu.core_type = #tpu.core_type<sc_vector_subcore>, window_params = [{transform_indices = #map}, {transform_indices = #map}, {transform_indices = #map}, {transform_indices = #map}, {transform_indices = #map1}, {transform_indices = #map1}, {transform_indices = #map}, {transform_indices = #map}]} {
    %mul3A = arith.constant 6256 : i32
    %mul3A_0 = arith.muli %arg1, %mul3A : i32
    %mul3A_1 = arith.constant 6272 : i32
    %mul3A_2 = arith.muli %arg0, %mul3A_1 : i32
    %mul3A_3 = arith.constant 392 : i32
    %mul3A_4 = arith.muli %arg1, %mul3A_3 : i32
    %add3A = arith.addi %mul3A_2, %mul3A_4 : i32
    "tpu.region"() ({
      %run_scoped3A = tpu.sem_alloc : memref<!tpu.dma_semaphore, #tpu.memory_space<semaphore_mem>>
      %dma_start3A = arith.constant 0 : i32
      %dma_start3A_67 = tpu.memref_slice %arg13[%mul3A_0, %dma_start3A] : memref<100096x16xf32, #tpu.memory_space<vmem_shared>> -> memref<6256x16xf32, #tpu.memory_space<vmem_shared>>
      %dma_start3A_68 = arith.constant 0 : i32
      %dma_start3A_69 = tpu.memref_slice %arg8[%mul3A_0, %dma_start3A_68] : memref<100096x16xf32, #tpu.memory_space<hbm>> -> memref<6256x16xf32, #tpu.memory_space<hbm>>
      tpu.enqueue_dma source(%dma_start3A_69 : memref<6256x16xf32, #tpu.memory_space<hbm>>) target(%dma_start3A_67 : memref<6256x16xf32, #tpu.memory_space<vmem_shared>>) target_semaphore(%run_scoped3A : memref<!tpu.dma_semaphore, #tpu.memory_space<semaphore_mem>>)
      %dma_wait3A = arith.constant 0 : i32
      %dma_wait3A_70 = tpu.memref_slice %arg13[%mul3A_0, %dma_wait3A] : memref<100096x16xf32, #tpu.memory_space<vmem_shared>> -> memref<6256x16xf32, #tpu.memory_space<vmem_shared>>
      %dma_wait3A_71 = arith.constant 0 : i32
      %dma_wait3A_72 = tpu.memref_slice %arg8[%mul3A_0, %dma_wait3A_71] : memref<100096x16xf32, #tpu.memory_space<hbm>> -> memref<6256x16xf32, #tpu.memory_space<hbm>>
      tpu.wait_dma2 semaphore(%run_scoped3A : memref<!tpu.dma_semaphore, #tpu.memory_space<semaphore_mem>>) src(%dma_wait3A_72 : memref<6256x16xf32, #tpu.memory_space<hbm>>) dst(%dma_wait3A_70 : memref<6256x16xf32, #tpu.memory_space<vmem_shared>>)
      tpu.yield
    }) : () -> ()
    %barrier3A = arith.constant 0 : index
    tpu.barrier barrier_id(%barrier3A)
    %scan3A = arith.constant 0 : i32
    %scan3A_5 = arith.constant 0 : i32
    %scan3A_6 = arith.constant 49 : i32
    %scan3A_7 = arith.addi %scan3A_5, %scan3A_6 : i32
    %scan3A_8 = arith.constant 1 : i32
    scf.for %scan3A_67 = %scan3A_5 to %scan3A_7 step %scan3A_8  : i32 {
      %mul3A_68 = arith.constant 128 : i32
      %mul3A_69 = arith.muli %add3A, %mul3A_68 : i32
      %mul3A_70 = arith.constant 1024 : i32
      %mul3A_71 = arith.muli %scan3A_67, %mul3A_70 : i32
      %add3A_72 = arith.addi %mul3A_69, %mul3A_71 : i32
      "tpu.region"() ({
        %run_scoped3A = tpu.sem_alloc : memref<!tpu.dma_semaphore, #tpu.memory_space<semaphore_mem>>
        %dma_start3A_83 = tpu.memref_slice %arg6[%add3A_72] : memref<1605632xi32, #tpu.memory_space<hbm>> -> memref<1024xi32, #tpu.memory_space<hbm>>
        %dma_start3A_84 = tpu.memref_slice %arg6[%add3A_72] : memref<1605632xi32, #tpu.memory_space<hbm>> -> memref<1024xi32, #tpu.memory_space<hbm>>
        tpu.enqueue_dma source(%dma_start3A_84 : memref<1024xi32, #tpu.memory_space<hbm>>) target(%arg10 : memref<1024xi32, #tpu.memory_space<vmem>>) target_semaphore(%run_scoped3A : memref<!tpu.dma_semaphore, #tpu.memory_space<semaphore_mem>>)
        %dma_wait3A_85 = tpu.memref_slice %arg6[%add3A_72] : memref<1605632xi32, #tpu.memory_space<hbm>> -> memref<1024xi32, #tpu.memory_space<hbm>>
        %dma_wait3A_86 = tpu.memref_slice %arg6[%add3A_72] : memref<1605632xi32, #tpu.memory_space<hbm>> -> memref<1024xi32, #tpu.memory_space<hbm>>
        tpu.wait_dma2 semaphore(%run_scoped3A : memref<!tpu.dma_semaphore, #tpu.memory_space<semaphore_mem>>) src(%dma_wait3A_86 : memref<1024xi32, #tpu.memory_space<hbm>>) dst(%arg10 : memref<1024xi32, #tpu.memory_space<vmem>>)
        tpu.yield
      }) : () -> ()
      "tpu.region"() ({
        %run_scoped3A = tpu.sem_alloc : memref<!tpu.dma_semaphore, #tpu.memory_space<semaphore_mem>>
        %dma_start3A_83 = tpu.memref_slice %arg7[%add3A_72] : memref<1605632xi32, #tpu.memory_space<hbm>> -> memref<1024xi32, #tpu.memory_space<hbm>>
        %dma_start3A_84 = tpu.memref_slice %arg7[%add3A_72] : memref<1605632xi32, #tpu.memory_space<hbm>> -> memref<1024xi32, #tpu.memory_space<hbm>>
        tpu.enqueue_dma source(%dma_start3A_84 : memref<1024xi32, #tpu.memory_space<hbm>>) target(%arg11 : memref<1024xi32, #tpu.memory_space<vmem>>) target_semaphore(%run_scoped3A : memref<!tpu.dma_semaphore, #tpu.memory_space<semaphore_mem>>)
        %dma_wait3A_85 = tpu.memref_slice %arg7[%add3A_72] : memref<1605632xi32, #tpu.memory_space<hbm>> -> memref<1024xi32, #tpu.memory_space<hbm>>
        %dma_wait3A_86 = tpu.memref_slice %arg7[%add3A_72] : memref<1605632xi32, #tpu.memory_space<hbm>> -> memref<1024xi32, #tpu.memory_space<hbm>>
        tpu.wait_dma2 semaphore(%run_scoped3A : memref<!tpu.dma_semaphore, #tpu.memory_space<semaphore_mem>>) src(%dma_wait3A_86 : memref<1024xi32, #tpu.memory_space<hbm>>) dst(%arg11 : memref<1024xi32, #tpu.memory_space<vmem>>)
        tpu.yield
      }) : () -> ()
      %dma_start3A = arith.constant 0 : i32
      %dma_start3A_73 = arith.constant 0 : i32
      %dma_start3A_74 = tpu.memref_slice %arg2[%dma_start3A, %dma_start3A_73] : memref<100000x16xf32, #tpu.memory_space<hbm>> -> memref<100000x16xf32, #tpu.memory_space<hbm>>
      tpu.enqueue_indirect_dma source(%dma_start3A_74 : memref<100000x16xf32, #tpu.memory_space<hbm>>) target(%arg12 : memref<1024x16xf32, #tpu.memory_space<vmem>>) offsets(%arg10 : memref<1024xi32, #tpu.memory_space<vmem>>) semaphore(%arg14 : memref<!tpu.dma_semaphore, #tpu.memory_space<semaphore_mem>>)
      %dma_wait3A = arith.constant 0 : i32
      %dma_wait3A_75 = arith.constant 0 : i32
      %dma_wait3A_76 = tpu.memref_slice %arg2[%dma_wait3A, %dma_wait3A_75] : memref<100000x16xf32, #tpu.memory_space<hbm>> -> memref<100000x16xf32, #tpu.memory_space<hbm>>
      tpu.wait_indirect_dma semaphore(%arg14 : memref<!tpu.dma_semaphore, #tpu.memory_space<semaphore_mem>>) src(%dma_wait3A_76 : memref<100000x16xf32, #tpu.memory_space<hbm>>) dst(%arg12 : memref<1024x16xf32, #tpu.memory_space<vmem>>)
      %dma_start3A_77 = arith.constant 0 : i32
      %dma_start3A_78 = arith.constant 0 : i32
      %dma_start3A_79 = tpu.memref_slice %arg13[%dma_start3A_77, %dma_start3A_78] : memref<100096x16xf32, #tpu.memory_space<vmem_shared>> -> memref<100096x16xf32, #tpu.memory_space<vmem_shared>>
      tpu.enqueue_indirect_dma source(%arg12 : memref<1024x16xf32, #tpu.memory_space<vmem>>) target(%dma_start3A_79 : memref<100096x16xf32, #tpu.memory_space<vmem_shared>>) offsets(%arg11 : memref<1024xi32, #tpu.memory_space<vmem>>) semaphore(%arg15 : memref<!tpu.dma_semaphore, #tpu.memory_space<semaphore_mem>>) {add = true}
      %dma_wait3A_80 = arith.constant 0 : i32
      %dma_wait3A_81 = arith.constant 0 : i32
      %dma_wait3A_82 = tpu.memref_slice %arg13[%dma_wait3A_80, %dma_wait3A_81] : memref<100096x16xf32, #tpu.memory_space<vmem_shared>> -> memref<100096x16xf32, #tpu.memory_space<vmem_shared>>
      tpu.wait_indirect_dma semaphore(%arg15 : memref<!tpu.dma_semaphore, #tpu.memory_space<semaphore_mem>>) src(%arg12 : memref<1024x16xf32, #tpu.memory_space<vmem>>) dst(%dma_wait3A_82 : memref<100096x16xf32, #tpu.memory_space<vmem_shared>>)
    }
    %scan3A_9 = arith.constant 49 : i32
    %barrier3A_10 = arith.constant 0 : index
    tpu.barrier barrier_id(%barrier3A_10)
    %add3A_11 = arith.constant 0 : i32
    %add3A_12 = arith.addi %add3A_11, %arg0 : i32
    %mul3A_13 = arith.constant 100096 : i32
    %mul3A_14 = arith.muli %add3A_12, %mul3A_13 : i32
    %mul3A_15 = arith.constant 6256 : i32
    %mul3A_16 = arith.muli %arg1, %mul3A_15 : i32
    %add3A_17 = arith.addi %mul3A_14, %mul3A_16 : i32
    "tpu.region"() ({
      %run_scoped3A = tpu.sem_alloc : memref<!tpu.dma_semaphore, #tpu.memory_space<semaphore_mem>>
      %dma_start3A = arith.constant 0 : i32
      %dma_start3A_67 = tpu.memref_slice %arg9[%add3A_17, %dma_start3A] : memref<800768x16xf32, #tpu.memory_space<hbm>> -> memref<6256x16xf32, #tpu.memory_space<hbm>>
      %dma_start3A_68 = arith.constant 0 : i32
      %dma_start3A_69 = tpu.memref_slice %arg13[%mul3A_0, %dma_start3A_68] : memref<100096x16xf32, #tpu.memory_space<vmem_shared>> -> memref<6256x16xf32, #tpu.memory_space<vmem_shared>>
      tpu.enqueue_dma source(%dma_start3A_69 : memref<6256x16xf32, #tpu.memory_space<vmem_shared>>) target(%dma_start3A_67 : memref<6256x16xf32, #tpu.memory_space<hbm>>) target_semaphore(%run_scoped3A : memref<!tpu.dma_semaphore, #tpu.memory_space<semaphore_mem>>)
      %dma_wait3A = arith.constant 0 : i32
      %dma_wait3A_70 = tpu.memref_slice %arg9[%add3A_17, %dma_wait3A] : memref<800768x16xf32, #tpu.memory_space<hbm>> -> memref<6256x16xf32, #tpu.memory_space<hbm>>
      %dma_wait3A_71 = arith.constant 0 : i32
      %dma_wait3A_72 = tpu.memref_slice %arg13[%mul3A_0, %dma_wait3A_71] : memref<100096x16xf32, #tpu.memory_space<vmem_shared>> -> memref<6256x16xf32, #tpu.memory_space<vmem_shared>>
      tpu.wait_dma2 semaphore(%run_scoped3A : memref<!tpu.dma_semaphore, #tpu.memory_space<semaphore_mem>>) src(%dma_wait3A_72 : memref<6256x16xf32, #tpu.memory_space<vmem_shared>>) dst(%dma_wait3A_70 : memref<6256x16xf32, #tpu.memory_space<hbm>>)
      tpu.yield
    }) : () -> ()
    %barrier3A_18 = arith.constant 0 : index
    tpu.barrier barrier_id(%barrier3A_18)
    "tpu.region"() ({
      %run_scoped3A = tpu.sem_alloc : memref<!tpu.dma_semaphore, #tpu.memory_space<semaphore_mem>>
      %dma_start3A = arith.constant 0 : i32
      %dma_start3A_67 = tpu.memref_slice %arg13[%mul3A_0, %dma_start3A] : memref<100096x16xf32, #tpu.memory_space<vmem_shared>> -> memref<6256x16xf32, #tpu.memory_space<vmem_shared>>
      %dma_start3A_68 = arith.constant 0 : i32
      %dma_start3A_69 = tpu.memref_slice %arg8[%mul3A_0, %dma_start3A_68] : memref<100096x16xf32, #tpu.memory_space<hbm>> -> memref<6256x16xf32, #tpu.memory_space<hbm>>
      tpu.enqueue_dma source(%dma_start3A_69 : memref<6256x16xf32, #tpu.memory_space<hbm>>) target(%dma_start3A_67 : memref<6256x16xf32, #tpu.memory_space<vmem_shared>>) target_semaphore(%run_scoped3A : memref<!tpu.dma_semaphore, #tpu.memory_space<semaphore_mem>>)
      %dma_wait3A = arith.constant 0 : i32
      %dma_wait3A_70 = tpu.memref_slice %arg13[%mul3A_0, %dma_wait3A] : memref<100096x16xf32, #tpu.memory_space<vmem_shared>> -> memref<6256x16xf32, #tpu.memory_space<vmem_shared>>
      %dma_wait3A_71 = arith.constant 0 : i32
      %dma_wait3A_72 = tpu.memref_slice %arg8[%mul3A_0, %dma_wait3A_71] : memref<100096x16xf32, #tpu.memory_space<hbm>> -> memref<6256x16xf32, #tpu.memory_space<hbm>>
      tpu.wait_dma2 semaphore(%run_scoped3A : memref<!tpu.dma_semaphore, #tpu.memory_space<semaphore_mem>>) src(%dma_wait3A_72 : memref<6256x16xf32, #tpu.memory_space<hbm>>) dst(%dma_wait3A_70 : memref<6256x16xf32, #tpu.memory_space<vmem_shared>>)
      tpu.yield
    }) : () -> ()
    %barrier3A_19 = arith.constant 0 : index
    tpu.barrier barrier_id(%barrier3A_19)
    %scan3A_20 = arith.constant 0 : i32
    %scan3A_21 = arith.constant 0 : i32
    %scan3A_22 = arith.constant 49 : i32
    %scan3A_23 = arith.addi %scan3A_21, %scan3A_22 : i32
    %scan3A_24 = arith.constant 1 : i32
    scf.for %scan3A_67 = %scan3A_21 to %scan3A_23 step %scan3A_24  : i32 {
      %mul3A_68 = arith.constant 128 : i32
      %mul3A_69 = arith.muli %add3A, %mul3A_68 : i32
      %mul3A_70 = arith.constant 1024 : i32
      %mul3A_71 = arith.muli %scan3A_67, %mul3A_70 : i32
      %add3A_72 = arith.addi %mul3A_69, %mul3A_71 : i32
      "tpu.region"() ({
        %run_scoped3A = tpu.sem_alloc : memref<!tpu.dma_semaphore, #tpu.memory_space<semaphore_mem>>
        %dma_start3A_83 = tpu.memref_slice %arg6[%add3A_72] : memref<1605632xi32, #tpu.memory_space<hbm>> -> memref<1024xi32, #tpu.memory_space<hbm>>
        %dma_start3A_84 = tpu.memref_slice %arg6[%add3A_72] : memref<1605632xi32, #tpu.memory_space<hbm>> -> memref<1024xi32, #tpu.memory_space<hbm>>
        tpu.enqueue_dma source(%dma_start3A_84 : memref<1024xi32, #tpu.memory_space<hbm>>) target(%arg10 : memref<1024xi32, #tpu.memory_space<vmem>>) target_semaphore(%run_scoped3A : memref<!tpu.dma_semaphore, #tpu.memory_space<semaphore_mem>>)
        %dma_wait3A_85 = tpu.memref_slice %arg6[%add3A_72] : memref<1605632xi32, #tpu.memory_space<hbm>> -> memref<1024xi32, #tpu.memory_space<hbm>>
        %dma_wait3A_86 = tpu.memref_slice %arg6[%add3A_72] : memref<1605632xi32, #tpu.memory_space<hbm>> -> memref<1024xi32, #tpu.memory_space<hbm>>
        tpu.wait_dma2 semaphore(%run_scoped3A : memref<!tpu.dma_semaphore, #tpu.memory_space<semaphore_mem>>) src(%dma_wait3A_86 : memref<1024xi32, #tpu.memory_space<hbm>>) dst(%arg10 : memref<1024xi32, #tpu.memory_space<vmem>>)
        tpu.yield
      }) : () -> ()
      "tpu.region"() ({
        %run_scoped3A = tpu.sem_alloc : memref<!tpu.dma_semaphore, #tpu.memory_space<semaphore_mem>>
        %dma_start3A_83 = tpu.memref_slice %arg7[%add3A_72] : memref<1605632xi32, #tpu.memory_space<hbm>> -> memref<1024xi32, #tpu.memory_space<hbm>>
        %dma_start3A_84 = tpu.memref_slice %arg7[%add3A_72] : memref<1605632xi32, #tpu.memory_space<hbm>> -> memref<1024xi32, #tpu.memory_space<hbm>>
        tpu.enqueue_dma source(%dma_start3A_84 : memref<1024xi32, #tpu.memory_space<hbm>>) target(%arg11 : memref<1024xi32, #tpu.memory_space<vmem>>) target_semaphore(%run_scoped3A : memref<!tpu.dma_semaphore, #tpu.memory_space<semaphore_mem>>)
        %dma_wait3A_85 = tpu.memref_slice %arg7[%add3A_72] : memref<1605632xi32, #tpu.memory_space<hbm>> -> memref<1024xi32, #tpu.memory_space<hbm>>
        %dma_wait3A_86 = tpu.memref_slice %arg7[%add3A_72] : memref<1605632xi32, #tpu.memory_space<hbm>> -> memref<1024xi32, #tpu.memory_space<hbm>>
        tpu.wait_dma2 semaphore(%run_scoped3A : memref<!tpu.dma_semaphore, #tpu.memory_space<semaphore_mem>>) src(%dma_wait3A_86 : memref<1024xi32, #tpu.memory_space<hbm>>) dst(%arg11 : memref<1024xi32, #tpu.memory_space<vmem>>)
        tpu.yield
      }) : () -> ()
      %dma_start3A = arith.constant 0 : i32
      %dma_start3A_73 = arith.constant 0 : i32
      %dma_start3A_74 = tpu.memref_slice %arg3[%dma_start3A, %dma_start3A_73] : memref<100000x16xf32, #tpu.memory_space<hbm>> -> memref<100000x16xf32, #tpu.memory_space<hbm>>
      tpu.enqueue_indirect_dma source(%dma_start3A_74 : memref<100000x16xf32, #tpu.memory_space<hbm>>) target(%arg12 : memref<1024x16xf32, #tpu.memory_space<vmem>>) offsets(%arg10 : memref<1024xi32, #tpu.memory_space<vmem>>) semaphore(%arg14 : memref<!tpu.dma_semaphore, #tpu.memory_space<semaphore_mem>>)
      %dma_wait3A = arith.constant 0 : i32
      %dma_wait3A_75 = arith.constant 0 : i32
      %dma_wait3A_76 = tpu.memref_slice %arg3[%dma_wait3A, %dma_wait3A_75] : memref<100000x16xf32, #tpu.memory_space<hbm>> -> memref<100000x16xf32, #tpu.memory_space<hbm>>
      tpu.wait_indirect_dma semaphore(%arg14 : memref<!tpu.dma_semaphore, #tpu.memory_space<semaphore_mem>>) src(%dma_wait3A_76 : memref<100000x16xf32, #tpu.memory_space<hbm>>) dst(%arg12 : memref<1024x16xf32, #tpu.memory_space<vmem>>)
      %dma_start3A_77 = arith.constant 0 : i32
      %dma_start3A_78 = arith.constant 0 : i32
      %dma_start3A_79 = tpu.memref_slice %arg13[%dma_start3A_77, %dma_start3A_78] : memref<100096x16xf32, #tpu.memory_space<vmem_shared>> -> memref<100096x16xf32, #tpu.memory_space<vmem_shared>>
      tpu.enqueue_indirect_dma source(%arg12 : memref<1024x16xf32, #tpu.memory_space<vmem>>) target(%dma_start3A_79 : memref<100096x16xf32, #tpu.memory_space<vmem_shared>>) offsets(%arg11 : memref<1024xi32, #tpu.memory_space<vmem>>) semaphore(%arg15 : memref<!tpu.dma_semaphore, #tpu.memory_space<semaphore_mem>>) {add = true}
      %dma_wait3A_80 = arith.constant 0 : i32
      %dma_wait3A_81 = arith.constant 0 : i32
      %dma_wait3A_82 = tpu.memref_slice %arg13[%dma_wait3A_80, %dma_wait3A_81] : memref<100096x16xf32, #tpu.memory_space<vmem_shared>> -> memref<100096x16xf32, #tpu.memory_space<vmem_shared>>
      tpu.wait_indirect_dma semaphore(%arg15 : memref<!tpu.dma_semaphore, #tpu.memory_space<semaphore_mem>>) src(%arg12 : memref<1024x16xf32, #tpu.memory_space<vmem>>) dst(%dma_wait3A_82 : memref<100096x16xf32, #tpu.memory_space<vmem_shared>>)
    }
    %scan3A_25 = arith.constant 49 : i32
    %barrier3A_26 = arith.constant 0 : index
    tpu.barrier barrier_id(%barrier3A_26)
    %add3A_27 = arith.constant 2 : i32
    %add3A_28 = arith.addi %add3A_27, %arg0 : i32
    %mul3A_29 = arith.constant 100096 : i32
    %mul3A_30 = arith.muli %add3A_28, %mul3A_29 : i32
    %mul3A_31 = arith.constant 6256 : i32
    %mul3A_32 = arith.muli %arg1, %mul3A_31 : i32
    %add3A_33 = arith.addi %mul3A_30, %mul3A_32 : i32
    "tpu.region"() ({
      %run_scoped3A = tpu.sem_alloc : memref<!tpu.dma_semaphore, #tpu.memory_space<semaphore_mem>>
      %dma_start3A = arith.constant 0 : i32
      %dma_start3A_67 = tpu.memref_slice %arg9[%add3A_33, %dma_start3A] : memref<800768x16xf32, #tpu.memory_space<hbm>> -> memref<6256x16xf32, #tpu.memory_space<hbm>>
      %dma_start3A_68 = arith.constant 0 : i32
      %dma_start3A_69 = tpu.memref_slice %arg13[%mul3A_0, %dma_start3A_68] : memref<100096x16xf32, #tpu.memory_space<vmem_shared>> -> memref<6256x16xf32, #tpu.memory_space<vmem_shared>>
      tpu.enqueue_dma source(%dma_start3A_69 : memref<6256x16xf32, #tpu.memory_space<vmem_shared>>) target(%dma_start3A_67 : memref<6256x16xf32, #tpu.memory_space<hbm>>) target_semaphore(%run_scoped3A : memref<!tpu.dma_semaphore, #tpu.memory_space<semaphore_mem>>)
      %dma_wait3A = arith.constant 0 : i32
      %dma_wait3A_70 = tpu.memref_slice %arg9[%add3A_33, %dma_wait3A] : memref<800768x16xf32, #tpu.memory_space<hbm>> -> memref<6256x16xf32, #tpu.memory_space<hbm>>
      %dma_wait3A_71 = arith.constant 0 : i32
      %dma_wait3A_72 = tpu.memref_slice %arg13[%mul3A_0, %dma_wait3A_71] : memref<100096x16xf32, #tpu.memory_space<vmem_shared>> -> memref<6256x16xf32, #tpu.memory_space<vmem_shared>>
      tpu.wait_dma2 semaphore(%run_scoped3A : memref<!tpu.dma_semaphore, #tpu.memory_space<semaphore_mem>>) src(%dma_wait3A_72 : memref<6256x16xf32, #tpu.memory_space<vmem_shared>>) dst(%dma_wait3A_70 : memref<6256x16xf32, #tpu.memory_space<hbm>>)
      tpu.yield
    }) : () -> ()
    %barrier3A_34 = arith.constant 0 : index
    tpu.barrier barrier_id(%barrier3A_34)
    "tpu.region"() ({
      %run_scoped3A = tpu.sem_alloc : memref<!tpu.dma_semaphore, #tpu.memory_space<semaphore_mem>>
      %dma_start3A = arith.constant 0 : i32
      %dma_start3A_67 = tpu.memref_slice %arg13[%mul3A_0, %dma_start3A] : memref<100096x16xf32, #tpu.memory_space<vmem_shared>> -> memref<6256x16xf32, #tpu.memory_space<vmem_shared>>
      %dma_start3A_68 = arith.constant 0 : i32
      %dma_start3A_69 = tpu.memref_slice %arg8[%mul3A_0, %dma_start3A_68] : memref<100096x16xf32, #tpu.memory_space<hbm>> -> memref<6256x16xf32, #tpu.memory_space<hbm>>
      tpu.enqueue_dma source(%dma_start3A_69 : memref<6256x16xf32, #tpu.memory_space<hbm>>) target(%dma_start3A_67 : memref<6256x16xf32, #tpu.memory_space<vmem_shared>>) target_semaphore(%run_scoped3A : memref<!tpu.dma_semaphore, #tpu.memory_space<semaphore_mem>>)
      %dma_wait3A = arith.constant 0 : i32
      %dma_wait3A_70 = tpu.memref_slice %arg13[%mul3A_0, %dma_wait3A] : memref<100096x16xf32, #tpu.memory_space<vmem_shared>> -> memref<6256x16xf32, #tpu.memory_space<vmem_shared>>
      %dma_wait3A_71 = arith.constant 0 : i32
      %dma_wait3A_72 = tpu.memref_slice %arg8[%mul3A_0, %dma_wait3A_71] : memref<100096x16xf32, #tpu.memory_space<hbm>> -> memref<6256x16xf32, #tpu.memory_space<hbm>>
      tpu.wait_dma2 semaphore(%run_scoped3A : memref<!tpu.dma_semaphore, #tpu.memory_space<semaphore_mem>>) src(%dma_wait3A_72 : memref<6256x16xf32, #tpu.memory_space<hbm>>) dst(%dma_wait3A_70 : memref<6256x16xf32, #tpu.memory_space<vmem_shared>>)
      tpu.yield
    }) : () -> ()
    %barrier3A_35 = arith.constant 0 : index
    tpu.barrier barrier_id(%barrier3A_35)
    %scan3A_36 = arith.constant 0 : i32
    %scan3A_37 = arith.constant 0 : i32
    %scan3A_38 = arith.constant 49 : i32
    %scan3A_39 = arith.addi %scan3A_37, %scan3A_38 : i32
    %scan3A_40 = arith.constant 1 : i32
    scf.for %scan3A_67 = %scan3A_37 to %scan3A_39 step %scan3A_40  : i32 {
      %mul3A_68 = arith.constant 128 : i32
      %mul3A_69 = arith.muli %add3A, %mul3A_68 : i32
      %mul3A_70 = arith.constant 1024 : i32
      %mul3A_71 = arith.muli %scan3A_67, %mul3A_70 : i32
      %add3A_72 = arith.addi %mul3A_69, %mul3A_71 : i32
      "tpu.region"() ({
        %run_scoped3A = tpu.sem_alloc : memref<!tpu.dma_semaphore, #tpu.memory_space<semaphore_mem>>
        %dma_start3A_83 = tpu.memref_slice %arg6[%add3A_72] : memref<1605632xi32, #tpu.memory_space<hbm>> -> memref<1024xi32, #tpu.memory_space<hbm>>
        %dma_start3A_84 = tpu.memref_slice %arg6[%add3A_72] : memref<1605632xi32, #tpu.memory_space<hbm>> -> memref<1024xi32, #tpu.memory_space<hbm>>
        tpu.enqueue_dma source(%dma_start3A_84 : memref<1024xi32, #tpu.memory_space<hbm>>) target(%arg10 : memref<1024xi32, #tpu.memory_space<vmem>>) target_semaphore(%run_scoped3A : memref<!tpu.dma_semaphore, #tpu.memory_space<semaphore_mem>>)
        %dma_wait3A_85 = tpu.memref_slice %arg6[%add3A_72] : memref<1605632xi32, #tpu.memory_space<hbm>> -> memref<1024xi32, #tpu.memory_space<hbm>>
        %dma_wait3A_86 = tpu.memref_slice %arg6[%add3A_72] : memref<1605632xi32, #tpu.memory_space<hbm>> -> memref<1024xi32, #tpu.memory_space<hbm>>
        tpu.wait_dma2 semaphore(%run_scoped3A : memref<!tpu.dma_semaphore, #tpu.memory_space<semaphore_mem>>) src(%dma_wait3A_86 : memref<1024xi32, #tpu.memory_space<hbm>>) dst(%arg10 : memref<1024xi32, #tpu.memory_space<vmem>>)
        tpu.yield
      }) : () -> ()
      "tpu.region"() ({
        %run_scoped3A = tpu.sem_alloc : memref<!tpu.dma_semaphore, #tpu.memory_space<semaphore_mem>>
        %dma_start3A_83 = tpu.memref_slice %arg7[%add3A_72] : memref<1605632xi32, #tpu.memory_space<hbm>> -> memref<1024xi32, #tpu.memory_space<hbm>>
        %dma_start3A_84 = tpu.memref_slice %arg7[%add3A_72] : memref<1605632xi32, #tpu.memory_space<hbm>> -> memref<1024xi32, #tpu.memory_space<hbm>>
        tpu.enqueue_dma source(%dma_start3A_84 : memref<1024xi32, #tpu.memory_space<hbm>>) target(%arg11 : memref<1024xi32, #tpu.memory_space<vmem>>) target_semaphore(%run_scoped3A : memref<!tpu.dma_semaphore, #tpu.memory_space<semaphore_mem>>)
        %dma_wait3A_85 = tpu.memref_slice %arg7[%add3A_72] : memref<1605632xi32, #tpu.memory_space<hbm>> -> memref<1024xi32, #tpu.memory_space<hbm>>
        %dma_wait3A_86 = tpu.memref_slice %arg7[%add3A_72] : memref<1605632xi32, #tpu.memory_space<hbm>> -> memref<1024xi32, #tpu.memory_space<hbm>>
        tpu.wait_dma2 semaphore(%run_scoped3A : memref<!tpu.dma_semaphore, #tpu.memory_space<semaphore_mem>>) src(%dma_wait3A_86 : memref<1024xi32, #tpu.memory_space<hbm>>) dst(%arg11 : memref<1024xi32, #tpu.memory_space<vmem>>)
        tpu.yield
      }) : () -> ()
      %dma_start3A = arith.constant 0 : i32
      %dma_start3A_73 = arith.constant 0 : i32
      %dma_start3A_74 = tpu.memref_slice %arg4[%dma_start3A, %dma_start3A_73] : memref<100000x16xf32, #tpu.memory_space<hbm>> -> memref<100000x16xf32, #tpu.memory_space<hbm>>
      tpu.enqueue_indirect_dma source(%dma_start3A_74 : memref<100000x16xf32, #tpu.memory_space<hbm>>) target(%arg12 : memref<1024x16xf32, #tpu.memory_space<vmem>>) offsets(%arg10 : memref<1024xi32, #tpu.memory_space<vmem>>) semaphore(%arg14 : memref<!tpu.dma_semaphore, #tpu.memory_space<semaphore_mem>>)
      %dma_wait3A = arith.constant 0 : i32
      %dma_wait3A_75 = arith.constant 0 : i32
      %dma_wait3A_76 = tpu.memref_slice %arg4[%dma_wait3A, %dma_wait3A_75] : memref<100000x16xf32, #tpu.memory_space<hbm>> -> memref<100000x16xf32, #tpu.memory_space<hbm>>
      tpu.wait_indirect_dma semaphore(%arg14 : memref<!tpu.dma_semaphore, #tpu.memory_space<semaphore_mem>>) src(%dma_wait3A_76 : memref<100000x16xf32, #tpu.memory_space<hbm>>) dst(%arg12 : memref<1024x16xf32, #tpu.memory_space<vmem>>)
      %dma_start3A_77 = arith.constant 0 : i32
      %dma_start3A_78 = arith.constant 0 : i32
      %dma_start3A_79 = tpu.memref_slice %arg13[%dma_start3A_77, %dma_start3A_78] : memref<100096x16xf32, #tpu.memory_space<vmem_shared>> -> memref<100096x16xf32, #tpu.memory_space<vmem_shared>>
      tpu.enqueue_indirect_dma source(%arg12 : memref<1024x16xf32, #tpu.memory_space<vmem>>) target(%dma_start3A_79 : memref<100096x16xf32, #tpu.memory_space<vmem_shared>>) offsets(%arg11 : memref<1024xi32, #tpu.memory_space<vmem>>) semaphore(%arg15 : memref<!tpu.dma_semaphore, #tpu.memory_space<semaphore_mem>>) {add = true}
      %dma_wait3A_80 = arith.constant 0 : i32
      %dma_wait3A_81 = arith.constant 0 : i32
      %dma_wait3A_82 = tpu.memref_slice %arg13[%dma_wait3A_80, %dma_wait3A_81] : memref<100096x16xf32, #tpu.memory_space<vmem_shared>> -> memref<100096x16xf32, #tpu.memory_space<vmem_shared>>
      tpu.wait_indirect_dma semaphore(%arg15 : memref<!tpu.dma_semaphore, #tpu.memory_space<semaphore_mem>>) src(%arg12 : memref<1024x16xf32, #tpu.memory_space<vmem>>) dst(%dma_wait3A_82 : memref<100096x16xf32, #tpu.memory_space<vmem_shared>>)
    }
    %scan3A_41 = arith.constant 49 : i32
    %barrier3A_42 = arith.constant 0 : index
    tpu.barrier barrier_id(%barrier3A_42)
    %add3A_43 = arith.constant 4 : i32
    %add3A_44 = arith.addi %add3A_43, %arg0 : i32
    %mul3A_45 = arith.constant 100096 : i32
    %mul3A_46 = arith.muli %add3A_44, %mul3A_45 : i32
    %mul3A_47 = arith.constant 6256 : i32
    %mul3A_48 = arith.muli %arg1, %mul3A_47 : i32
    %add3A_49 = arith.addi %mul3A_46, %mul3A_48 : i32
    "tpu.region"() ({
      %run_scoped3A = tpu.sem_alloc : memref<!tpu.dma_semaphore, #tpu.memory_space<semaphore_mem>>
      %dma_start3A = arith.constant 0 : i32
      %dma_start3A_67 = tpu.memref_slice %arg9[%add3A_49, %dma_start3A] : memref<800768x16xf32, #tpu.memory_space<hbm>> -> memref<6256x16xf32, #tpu.memory_space<hbm>>
      %dma_start3A_68 = arith.constant 0 : i32
      %dma_start3A_69 = tpu.memref_slice %arg13[%mul3A_0, %dma_start3A_68] : memref<100096x16xf32, #tpu.memory_space<vmem_shared>> -> memref<6256x16xf32, #tpu.memory_space<vmem_shared>>
      tpu.enqueue_dma source(%dma_start3A_69 : memref<6256x16xf32, #tpu.memory_space<vmem_shared>>) target(%dma_start3A_67 : memref<6256x16xf32, #tpu.memory_space<hbm>>) target_semaphore(%run_scoped3A : memref<!tpu.dma_semaphore, #tpu.memory_space<semaphore_mem>>)
      %dma_wait3A = arith.constant 0 : i32
      %dma_wait3A_70 = tpu.memref_slice %arg9[%add3A_49, %dma_wait3A] : memref<800768x16xf32, #tpu.memory_space<hbm>> -> memref<6256x16xf32, #tpu.memory_space<hbm>>
      %dma_wait3A_71 = arith.constant 0 : i32
      %dma_wait3A_72 = tpu.memref_slice %arg13[%mul3A_0, %dma_wait3A_71] : memref<100096x16xf32, #tpu.memory_space<vmem_shared>> -> memref<6256x16xf32, #tpu.memory_space<vmem_shared>>
      tpu.wait_dma2 semaphore(%run_scoped3A : memref<!tpu.dma_semaphore, #tpu.memory_space<semaphore_mem>>) src(%dma_wait3A_72 : memref<6256x16xf32, #tpu.memory_space<vmem_shared>>) dst(%dma_wait3A_70 : memref<6256x16xf32, #tpu.memory_space<hbm>>)
      tpu.yield
    }) : () -> ()
    %barrier3A_50 = arith.constant 0 : index
    tpu.barrier barrier_id(%barrier3A_50)
    "tpu.region"() ({
      %run_scoped3A = tpu.sem_alloc : memref<!tpu.dma_semaphore, #tpu.memory_space<semaphore_mem>>
      %dma_start3A = arith.constant 0 : i32
      %dma_start3A_67 = tpu.memref_slice %arg13[%mul3A_0, %dma_start3A] : memref<100096x16xf32, #tpu.memory_space<vmem_shared>> -> memref<6256x16xf32, #tpu.memory_space<vmem_shared>>
      %dma_start3A_68 = arith.constant 0 : i32
      %dma_start3A_69 = tpu.memref_slice %arg8[%mul3A_0, %dma_start3A_68] : memref<100096x16xf32, #tpu.memory_space<hbm>> -> memref<6256x16xf32, #tpu.memory_space<hbm>>
      tpu.enqueue_dma source(%dma_start3A_69 : memref<6256x16xf32, #tpu.memory_space<hbm>>) target(%dma_start3A_67 : memref<6256x16xf32, #tpu.memory_space<vmem_shared>>) target_semaphore(%run_scoped3A : memref<!tpu.dma_semaphore, #tpu.memory_space<semaphore_mem>>)
      %dma_wait3A = arith.constant 0 : i32
      %dma_wait3A_70 = tpu.memref_slice %arg13[%mul3A_0, %dma_wait3A] : memref<100096x16xf32, #tpu.memory_space<vmem_shared>> -> memref<6256x16xf32, #tpu.memory_space<vmem_shared>>
      %dma_wait3A_71 = arith.constant 0 : i32
      %dma_wait3A_72 = tpu.memref_slice %arg8[%mul3A_0, %dma_wait3A_71] : memref<100096x16xf32, #tpu.memory_space<hbm>> -> memref<6256x16xf32, #tpu.memory_space<hbm>>
      tpu.wait_dma2 semaphore(%run_scoped3A : memref<!tpu.dma_semaphore, #tpu.memory_space<semaphore_mem>>) src(%dma_wait3A_72 : memref<6256x16xf32, #tpu.memory_space<hbm>>) dst(%dma_wait3A_70 : memref<6256x16xf32, #tpu.memory_space<vmem_shared>>)
      tpu.yield
    }) : () -> ()
    %barrier3A_51 = arith.constant 0 : index
    tpu.barrier barrier_id(%barrier3A_51)
    %scan3A_52 = arith.constant 0 : i32
    %scan3A_53 = arith.constant 0 : i32
    %scan3A_54 = arith.constant 49 : i32
    %scan3A_55 = arith.addi %scan3A_53, %scan3A_54 : i32
    %scan3A_56 = arith.constant 1 : i32
    scf.for %scan3A_67 = %scan3A_53 to %scan3A_55 step %scan3A_56  : i32 {
      %mul3A_68 = arith.constant 128 : i32
      %mul3A_69 = arith.muli %add3A, %mul3A_68 : i32
      %mul3A_70 = arith.constant 1024 : i32
      %mul3A_71 = arith.muli %scan3A_67, %mul3A_70 : i32
      %add3A_72 = arith.addi %mul3A_69, %mul3A_71 : i32
      "tpu.region"() ({
        %run_scoped3A = tpu.sem_alloc : memref<!tpu.dma_semaphore, #tpu.memory_space<semaphore_mem>>
        %dma_start3A_83 = tpu.memref_slice %arg6[%add3A_72] : memref<1605632xi32, #tpu.memory_space<hbm>> -> memref<1024xi32, #tpu.memory_space<hbm>>
        %dma_start3A_84 = tpu.memref_slice %arg6[%add3A_72] : memref<1605632xi32, #tpu.memory_space<hbm>> -> memref<1024xi32, #tpu.memory_space<hbm>>
        tpu.enqueue_dma source(%dma_start3A_84 : memref<1024xi32, #tpu.memory_space<hbm>>) target(%arg10 : memref<1024xi32, #tpu.memory_space<vmem>>) target_semaphore(%run_scoped3A : memref<!tpu.dma_semaphore, #tpu.memory_space<semaphore_mem>>)
        %dma_wait3A_85 = tpu.memref_slice %arg6[%add3A_72] : memref<1605632xi32, #tpu.memory_space<hbm>> -> memref<1024xi32, #tpu.memory_space<hbm>>
        %dma_wait3A_86 = tpu.memref_slice %arg6[%add3A_72] : memref<1605632xi32, #tpu.memory_space<hbm>> -> memref<1024xi32, #tpu.memory_space<hbm>>
        tpu.wait_dma2 semaphore(%run_scoped3A : memref<!tpu.dma_semaphore, #tpu.memory_space<semaphore_mem>>) src(%dma_wait3A_86 : memref<1024xi32, #tpu.memory_space<hbm>>) dst(%arg10 : memref<1024xi32, #tpu.memory_space<vmem>>)
        tpu.yield
      }) : () -> ()
      "tpu.region"() ({
        %run_scoped3A = tpu.sem_alloc : memref<!tpu.dma_semaphore, #tpu.memory_space<semaphore_mem>>
        %dma_start3A_83 = tpu.memref_slice %arg7[%add3A_72] : memref<1605632xi32, #tpu.memory_space<hbm>> -> memref<1024xi32, #tpu.memory_space<hbm>>
        %dma_start3A_84 = tpu.memref_slice %arg7[%add3A_72] : memref<1605632xi32, #tpu.memory_space<hbm>> -> memref<1024xi32, #tpu.memory_space<hbm>>
        tpu.enqueue_dma source(%dma_start3A_84 : memref<1024xi32, #tpu.memory_space<hbm>>) target(%arg11 : memref<1024xi32, #tpu.memory_space<vmem>>) target_semaphore(%run_scoped3A : memref<!tpu.dma_semaphore, #tpu.memory_space<semaphore_mem>>)
        %dma_wait3A_85 = tpu.memref_slice %arg7[%add3A_72] : memref<1605632xi32, #tpu.memory_space<hbm>> -> memref<1024xi32, #tpu.memory_space<hbm>>
        %dma_wait3A_86 = tpu.memref_slice %arg7[%add3A_72] : memref<1605632xi32, #tpu.memory_space<hbm>> -> memref<1024xi32, #tpu.memory_space<hbm>>
        tpu.wait_dma2 semaphore(%run_scoped3A : memref<!tpu.dma_semaphore, #tpu.memory_space<semaphore_mem>>) src(%dma_wait3A_86 : memref<1024xi32, #tpu.memory_space<hbm>>) dst(%arg11 : memref<1024xi32, #tpu.memory_space<vmem>>)
        tpu.yield
      }) : () -> ()
      %dma_start3A = arith.constant 0 : i32
      %dma_start3A_73 = arith.constant 0 : i32
      %dma_start3A_74 = tpu.memref_slice %arg5[%dma_start3A, %dma_start3A_73] : memref<100000x16xf32, #tpu.memory_space<hbm>> -> memref<100000x16xf32, #tpu.memory_space<hbm>>
      tpu.enqueue_indirect_dma source(%dma_start3A_74 : memref<100000x16xf32, #tpu.memory_space<hbm>>) target(%arg12 : memref<1024x16xf32, #tpu.memory_space<vmem>>) offsets(%arg10 : memref<1024xi32, #tpu.memory_space<vmem>>) semaphore(%arg14 : memref<!tpu.dma_semaphore, #tpu.memory_space<semaphore_mem>>)
      %dma_wait3A = arith.constant 0 : i32
      %dma_wait3A_75 = arith.constant 0 : i32
      %dma_wait3A_76 = tpu.memref_slice %arg5[%dma_wait3A, %dma_wait3A_75] : memref<100000x16xf32, #tpu.memory_space<hbm>> -> memref<100000x16xf32, #tpu.memory_space<hbm>>
      tpu.wait_indirect_dma semaphore(%arg14 : memref<!tpu.dma_semaphore, #tpu.memory_space<semaphore_mem>>) src(%dma_wait3A_76 : memref<100000x16xf32, #tpu.memory_space<hbm>>) dst(%arg12 : memref<1024x16xf32, #tpu.memory_space<vmem>>)
      %dma_start3A_77 = arith.constant 0 : i32
      %dma_start3A_78 = arith.constant 0 : i32
      %dma_start3A_79 = tpu.memref_slice %arg13[%dma_start3A_77, %dma_start3A_78] : memref<100096x16xf32, #tpu.memory_space<vmem_shared>> -> memref<100096x16xf32, #tpu.memory_space<vmem_shared>>
      tpu.enqueue_indirect_dma source(%arg12 : memref<1024x16xf32, #tpu.memory_space<vmem>>) target(%dma_start3A_79 : memref<100096x16xf32, #tpu.memory_space<vmem_shared>>) offsets(%arg11 : memref<1024xi32, #tpu.memory_space<vmem>>) semaphore(%arg15 : memref<!tpu.dma_semaphore, #tpu.memory_space<semaphore_mem>>) {add = true}
      %dma_wait3A_80 = arith.constant 0 : i32
      %dma_wait3A_81 = arith.constant 0 : i32
      %dma_wait3A_82 = tpu.memref_slice %arg13[%dma_wait3A_80, %dma_wait3A_81] : memref<100096x16xf32, #tpu.memory_space<vmem_shared>> -> memref<100096x16xf32, #tpu.memory_space<vmem_shared>>
      tpu.wait_indirect_dma semaphore(%arg15 : memref<!tpu.dma_semaphore, #tpu.memory_space<semaphore_mem>>) src(%arg12 : memref<1024x16xf32, #tpu.memory_space<vmem>>) dst(%dma_wait3A_82 : memref<100096x16xf32, #tpu.memory_space<vmem_shared>>)
    }
    %scan3A_57 = arith.constant 49 : i32
    %barrier3A_58 = arith.constant 0 : index
    tpu.barrier barrier_id(%barrier3A_58)
    %add3A_59 = arith.constant 6 : i32
    %add3A_60 = arith.addi %add3A_59, %arg0 : i32
    %mul3A_61 = arith.constant 100096 : i32
    %mul3A_62 = arith.muli %add3A_60, %mul3A_61 : i32
    %mul3A_63 = arith.constant 6256 : i32
    %mul3A_64 = arith.muli %arg1, %mul3A_63 : i32
    %add3A_65 = arith.addi %mul3A_62, %mul3A_64 : i32
    "tpu.region"() ({
      %run_scoped3A = tpu.sem_alloc : memref<!tpu.dma_semaphore, #tpu.memory_space<semaphore_mem>>
      %dma_start3A = arith.constant 0 : i32
      %dma_start3A_67 = tpu.memref_slice %arg9[%add3A_65, %dma_start3A] : memref<800768x16xf32, #tpu.memory_space<hbm>> -> memref<6256x16xf32, #tpu.memory_space<hbm>>
      %dma_start3A_68 = arith.constant 0 : i32
      %dma_start3A_69 = tpu.memref_slice %arg13[%mul3A_0, %dma_start3A_68] : memref<100096x16xf32, #tpu.memory_space<vmem_shared>> -> memref<6256x16xf32, #tpu.memory_space<vmem_shared>>
      tpu.enqueue_dma source(%dma_start3A_69 : memref<6256x16xf32, #tpu.memory_space<vmem_shared>>) target(%dma_start3A_67 : memref<6256x16xf32, #tpu.memory_space<hbm>>) target_semaphore(%run_scoped3A : memref<!tpu.dma_semaphore, #tpu.memory_space<semaphore_mem>>)
      %dma_wait3A = arith.constant 0 : i32
      %dma_wait3A_70 = tpu.memref_slice %arg9[%add3A_65, %dma_wait3A] : memref<800768x16xf32, #tpu.memory_space<hbm>> -> memref<6256x16xf32, #tpu.memory_space<hbm>>
      %dma_wait3A_71 = arith.constant 0 : i32
      %dma_wait3A_72 = tpu.memref_slice %arg13[%mul3A_0, %dma_wait3A_71] : memref<100096x16xf32, #tpu.memory_space<vmem_shared>> -> memref<6256x16xf32, #tpu.memory_space<vmem_shared>>
      tpu.wait_dma2 semaphore(%run_scoped3A : memref<!tpu.dma_semaphore, #tpu.memory_space<semaphore_mem>>) src(%dma_wait3A_72 : memref<6256x16xf32, #tpu.memory_space<vmem_shared>>) dst(%dma_wait3A_70 : memref<6256x16xf32, #tpu.memory_space<hbm>>)
      tpu.yield
    }) : () -> ()
    %barrier3A_66 = arith.constant 0 : index
    tpu.barrier barrier_id(%barrier3A_66)
    return
  }
}

module attributes {stable_mosaic.version = 14 : i64} {
  func.func @_stage_a(%arg0: i32, %arg1: memref<1024x128xf32, #tpu.memory_space<vmem>>, %arg2: memref<128x32xf32, #tpu.memory_space<vmem>>, %arg3: memref<1024x16xf32, #tpu.memory_space<vmem>>, %arg4: memref<1024x16xf32, #tpu.memory_space<vmem>>, %arg5: memref<1024x16xf32, #tpu.memory_space<vmem>>, %arg6: memref<1024x16xf32, #tpu.memory_space<vmem>>) attributes {dimension_semantics = [#tpu.dimension_semantics<arbitrary>], iteration_bounds = array<i64: 98>, scalar_prefetch = 0 : i64, scratch_operands = 0 : i64, tpu.core_type = #tpu.core_type<tc>, window_params = [{transform_indices = @transform_0, window_bounds = array<i64: 1024, 128>}, {pipeline_mode = #tpu.pipeline_mode<synchronous>, transform_indices = @transform_1, window_bounds = array<i64: 128, 32>}, {transform_indices = @transform_2, window_bounds = array<i64: 1024, 16>}, {transform_indices = @transform_3, window_bounds = array<i64: 1024, 16>}, {transform_indices = @transform_4, window_bounds = array<i64: 1024, 16>}, {transform_indices = @transform_5, window_bounds = array<i64: 1024, 16>}]} {
    %get3A = arith.constant 0 : index
    %get3A_0 = arith.constant 0 : index
    %get3A_1 = vector.load %arg1[%get3A, %get3A_0] : memref<1024x128xf32, #tpu.memory_space<vmem>>, vector<1024x128xf32>
    %get3A_2 = arith.constant 0 : index
    %get3A_3 = arith.constant 0 : index
    %get3A_4 = vector.load %arg2[%get3A_2, %get3A_3] : memref<128x32xf32, #tpu.memory_space<vmem>>, vector<128x32xf32>
    %dot_general3A = arith.constant dense<0.000000e+00> : vector<1024x32xf32>
    %dot_general3A_5 = tpu.matmul %get3A_1, %get3A_4, %dot_general3A {dimension_numbers = #tpu.dot_dimension_numbers<[1], [0], [0], [1], [0, 0, 1, 1], [], []>, transpose_lhs_hint = false} : vector<1024x128xf32>, vector<128x32xf32>, vector<1024x32xf32> -> vector<1024x32xf32>
    %abs3A = math.absf %dot_general3A_5 : vector<1024x32xf32>
    %gt3A = arith.constant 0.000000e+00 : f32
    %gt3A_6 = vector.broadcast %gt3A : f32 to vector<1024x32xf32>
    %gt3A_7 = arith.cmpf ogt, %abs3A, %gt3A_6 : vector<1024x32xf32>
    %log3A = math.log %abs3A : vector<1024x32xf32>
    %log3A_8 = arith.constant 2.000000e+00 : f32
    %log3A_9 = math.log %log3A_8 : f32
    %div3A = vector.broadcast %log3A_9 : f32 to vector<1024x32xf32>
    %div3A_10 = arith.divf %log3A, %div3A : vector<1024x32xf32>
    %jit3A = arith.constant -1.000000e+30 : f32
    %broadcast_in_dim3A = vector.broadcast %jit3A : f32 to vector<1024x32xf32>
    %select_n3A = arith.select %gt3A_7, %div3A_10, %broadcast_in_dim3A : vector<1024x32xi1>, vector<1024x32xf32>
    %lt3A = arith.constant 0.000000e+00 : f32
    %lt3A_11 = vector.broadcast %lt3A : f32 to vector<1024x32xf32>
    %lt3A_12 = arith.cmpf olt, %dot_general3A_5, %lt3A_11 : vector<1024x32xf32>
    %jit3A_13 = arith.constant 3.000000e+00 : f32
    %jit3A_14 = arith.constant 2.000000e+00 : f32
    %broadcast_in_dim3A_15 = vector.broadcast %jit3A_13 : f32 to vector<1024x32xf32>
    %broadcast_in_dim3A_16 = vector.broadcast %jit3A_14 : f32 to vector<1024x32xf32>
    %select_n3A_17 = arith.select %lt3A_12, %broadcast_in_dim3A_15, %broadcast_in_dim3A_16 : vector<1024x32xi1>, vector<1024x32xf32>
    %slice3A = vector.extract_strided_slice %select_n3A {offsets = [0, 0], sizes = [1024, 16], strides = [1, 1]} : vector<1024x32xf32> to vector<1024x16xf32>
    %swap3A = arith.constant 0 : index
    %swap3A_18 = arith.constant 0 : index
    %swap3A_19 = vector.load %arg3[%swap3A, %swap3A_18] : memref<1024x16xf32, #tpu.memory_space<vmem>>, vector<1024x16xf32>
    tpu.vector_store %arg3[%swap3A, %swap3A_18], %slice3A {strides = array<i32>} : memref<1024x16xf32, #tpu.memory_space<vmem>>, vector<1024x16xf32>,
    %slice3A_20 = vector.extract_strided_slice %select_n3A {offsets = [0, 16], sizes = [1024, 16], strides = [1, 1]} : vector<1024x32xf32> to vector<1024x16xf32>
    %swap3A_21 = arith.constant 0 : index
    %swap3A_22 = arith.constant 0 : index
    %swap3A_23 = vector.load %arg4[%swap3A_21, %swap3A_22] : memref<1024x16xf32, #tpu.memory_space<vmem>>, vector<1024x16xf32>
    tpu.vector_store %arg4[%swap3A_21, %swap3A_22], %slice3A_20 {strides = array<i32>} : memref<1024x16xf32, #tpu.memory_space<vmem>>, vector<1024x16xf32>,
    %slice3A_24 = vector.extract_strided_slice %select_n3A_17 {offsets = [0, 0], sizes = [1024, 16], strides = [1, 1]} : vector<1024x32xf32> to vector<1024x16xf32>
    %swap3A_25 = arith.constant 0 : index
    %swap3A_26 = arith.constant 0 : index
    %swap3A_27 = vector.load %arg5[%swap3A_25, %swap3A_26] : memref<1024x16xf32, #tpu.memory_space<vmem>>, vector<1024x16xf32>
    tpu.vector_store %arg5[%swap3A_25, %swap3A_26], %slice3A_24 {strides = array<i32>} : memref<1024x16xf32, #tpu.memory_space<vmem>>, vector<1024x16xf32>,
    %slice3A_28 = vector.extract_strided_slice %select_n3A_17 {offsets = [0, 16], sizes = [1024, 16], strides = [1, 1]} : vector<1024x32xf32> to vector<1024x16xf32>
    %swap3A_29 = arith.constant 0 : index
    %swap3A_30 = arith.constant 0 : index
    %swap3A_31 = vector.load %arg6[%swap3A_29, %swap3A_30] : memref<1024x16xf32, #tpu.memory_space<vmem>>, vector<1024x16xf32>
    tpu.vector_store %arg6[%swap3A_29, %swap3A_30], %slice3A_28 {strides = array<i32>} : memref<1024x16xf32, #tpu.memory_space<vmem>>, vector<1024x16xf32>,
    return
  }
  func.func @transform_0(%arg0: i32) -> (i32, i32) {
    %c0_i32 = arith.constant 0 : i32
    %c0_i32_0 = arith.constant 0 : i32
    return %arg0, %c0_i32 : i32, i32
  }
  func.func @transform_1(%arg0: i32) -> (i32, i32) {
    %c0_i32 = arith.constant 0 : i32
    %c0_i32_0 = arith.constant 0 : i32
    %c0_i32_1 = arith.constant 0 : i32
    return %c0_i32, %c0_i32_0 : i32, i32
  }
  func.func @transform_2(%arg0: i32) -> (i32, i32) {
    %c0_i32 = arith.constant 0 : i32
    %c0_i32_0 = arith.constant 0 : i32
    return %arg0, %c0_i32 : i32, i32
  }
  func.func @transform_3(%arg0: i32) -> (i32, i32) {
    %c0_i32 = arith.constant 0 : i32
    %c0_i32_0 = arith.constant 0 : i32
    return %arg0, %c0_i32 : i32, i32
  }
  func.func @transform_4(%arg0: i32) -> (i32, i32) {
    %c0_i32 = arith.constant 0 : i32
    %c0_i32_0 = arith.constant 0 : i32
    return %arg0, %c0_i32 : i32, i32
  }
  func.func @transform_5(%arg0: i32) -> (i32, i32) {
    %c0_i32 = arith.constant 0 : i32
    %c0_i32_0 = arith.constant 0 : i32
    return %arg0, %c0_i32 : i32, i32
  }
}

module attributes {stable_mosaic.version = 14 : i64} {
  func.func @_stage_c(%arg0: i32, %arg1: memref<4x2x1024x16xf32, #tpu.memory_space<vmem>>, %arg2: memref<1024xf32, #tpu.memory_space<vmem>>, %arg3: memref<32x128xf32, #tpu.memory_space<vmem>>, %arg4: memref<1024x128xf32, #tpu.memory_space<vmem>>) attributes {dimension_semantics = [#tpu.dimension_semantics<arbitrary>], iteration_bounds = array<i64: 98>, scalar_prefetch = 0 : i64, scratch_operands = 0 : i64, tpu.core_type = #tpu.core_type<tc>, window_params = [{transform_indices = @transform_0, window_bounds = array<i64: 4, 2, 1024, 16>}, {transform_indices = @transform_1, window_bounds = array<i64: 1024>}, {pipeline_mode = #tpu.pipeline_mode<synchronous>, transform_indices = @transform_2, window_bounds = array<i64: 32, 128>}, {transform_indices = @transform_3, window_bounds = array<i64: 1024, 128>}]} {
    %get3A = arith.constant 0 : index
    %get3A_0 = arith.constant 0 : index
    %get3A_1 = arith.constant 0 : index
    %get3A_2 = arith.constant 0 : index
    %get3A_3 = vector.load %arg1[%get3A, %get3A_0, %get3A_1, %get3A_2] : memref<4x2x1024x16xf32, #tpu.memory_space<vmem>>, vector<4x2x1024x16xf32>
    %slice3A = vector.extract_strided_slice %get3A_3 {offsets = [0, 0, 0, 0], sizes = [4, 1, 1024, 16], strides = [1, 1, 1, 1]} : vector<4x2x1024x16xf32> to vector<4x1x1024x16xf32>
    %squeeze3A = vector.shape_cast %slice3A : vector<4x1x1024x16xf32> to vector<4x1024x16xf32>
    %slice3A_4 = vector.extract_strided_slice %get3A_3 {offsets = [0, 1, 0, 0], sizes = [4, 1, 1024, 16], strides = [1, 1, 1, 1]} : vector<4x2x1024x16xf32> to vector<4x1x1024x16xf32>
    %squeeze3A_5 = vector.shape_cast %slice3A_4 : vector<4x1x1024x16xf32> to vector<4x1024x16xf32>
    %add3A = arith.addf %squeeze3A, %squeeze3A_5 : vector<4x1024x16xf32>
    %slice3A_6 = vector.extract_strided_slice %add3A {offsets = [0, 0, 0], sizes = [1, 1024, 16], strides = [1, 1, 1]} : vector<4x1024x16xf32> to vector<1x1024x16xf32>
    %squeeze3A_7 = vector.shape_cast %slice3A_6 : vector<1x1024x16xf32> to vector<1024x16xf32>
    %slice3A_8 = vector.extract_strided_slice %add3A {offsets = [1, 0, 0], sizes = [1, 1024, 16], strides = [1, 1, 1]} : vector<4x1024x16xf32> to vector<1x1024x16xf32>
    %squeeze3A_9 = vector.shape_cast %slice3A_8 : vector<1x1024x16xf32> to vector<1024x16xf32>
    %concatenate3A = tpu.concatenate %squeeze3A_7, %squeeze3A_9 in 1 : vector<1024x16xf32>, vector<1024x16xf32> -> vector<1024x32xf32>
    %slice3A_10 = vector.extract_strided_slice %add3A {offsets = [2, 0, 0], sizes = [1, 1024, 16], strides = [1, 1, 1]} : vector<4x1024x16xf32> to vector<1x1024x16xf32>
    %squeeze3A_11 = vector.shape_cast %slice3A_10 : vector<1x1024x16xf32> to vector<1024x16xf32>
    %slice3A_12 = vector.extract_strided_slice %add3A {offsets = [3, 0, 0], sizes = [1, 1024, 16], strides = [1, 1, 1]} : vector<4x1024x16xf32> to vector<1x1024x16xf32>
    %squeeze3A_13 = vector.shape_cast %slice3A_12 : vector<1x1024x16xf32> to vector<1024x16xf32>
    %concatenate3A_14 = tpu.concatenate %squeeze3A_11, %squeeze3A_13 in 1 : vector<1024x16xf32>, vector<1024x16xf32> -> vector<1024x32xf32>
    %exp23A = math.exp2 %concatenate3A : vector<1024x32xf32>
    %mul3A = arith.constant 5.000000e-01 : f32
    %mul3A_15 = vector.broadcast %mul3A : f32 to vector<1024x32xf32>
    %mul3A_16 = arith.mulf %concatenate3A_14, %mul3A_15 : vector<1024x32xf32>
    %floor3A = math.floor %mul3A_16 : vector<1024x32xf32>
    %mul3A_17 = arith.constant 2.000000e+00 : f32
    %mul3A_18 = vector.broadcast %mul3A_17 : f32 to vector<1024x32xf32>
    %mul3A_19 = arith.mulf %mul3A_18, %floor3A : vector<1024x32xf32>
    %sub3A = arith.subf %concatenate3A_14, %mul3A_19 : vector<1024x32xf32>
    %mul3A_20 = arith.constant 2.000000e+00 : f32
    %mul3A_21 = vector.broadcast %mul3A_20 : f32 to vector<1024x32xf32>
    %mul3A_22 = arith.mulf %mul3A_21, %sub3A : vector<1024x32xf32>
    %sub3A_23 = arith.constant 1.000000e+00 : f32
    %sub3A_24 = vector.broadcast %sub3A_23 : f32 to vector<1024x32xf32>
    %sub3A_25 = arith.subf %sub3A_24, %mul3A_22 : vector<1024x32xf32>
    %gt3A = arith.constant 5.000000e-01 : f32
    %gt3A_26 = vector.broadcast %gt3A : f32 to vector<1024x32xf32>
    %gt3A_27 = arith.cmpf ogt, %concatenate3A_14, %gt3A_26 : vector<1024x32xf32>
    %mul3A_28 = arith.mulf %exp23A, %sub3A_25 : vector<1024x32xf32>
    %jit3A = arith.constant 0.000000e+00 : f32
    %broadcast_in_dim3A = vector.broadcast %jit3A : f32 to vector<1024x32xf32>
    %select_n3A = arith.select %gt3A_27, %mul3A_28, %broadcast_in_dim3A : vector<1024x32xi1>, vector<1024x32xf32>
    %get3A_29 = arith.constant 0 : index
    %get3A_30 = vector.load %arg2[%get3A_29] : memref<1024xf32, #tpu.memory_space<vmem>>, vector<1024xf32>
    %broadcast_in_dim3A_31 = vector.shape_cast %get3A_30 : vector<1024xf32> to vector<1024x1xf32>
    %mul3A_32 = vector.broadcast %broadcast_in_dim3A_31 : vector<1024x1xf32> to vector<1024x32xf32>
    %mul3A_33 = arith.mulf %mul3A_32, %select_n3A : vector<1024x32xf32>
    %get3A_34 = arith.constant 0 : index
    %get3A_35 = arith.constant 0 : index
    %get3A_36 = vector.load %arg3[%get3A_34, %get3A_35] : memref<32x128xf32, #tpu.memory_space<vmem>>, vector<32x128xf32>
    %dot_general3A = arith.constant dense<0.000000e+00> : vector<1024x128xf32>
    %dot_general3A_37 = tpu.matmul %mul3A_33, %get3A_36, %dot_general3A {dimension_numbers = #tpu.dot_dimension_numbers<[1], [0], [0], [1], [0, 0, 1, 1], [], []>, transpose_lhs_hint = false} : vector<1024x32xf32>, vector<32x128xf32>, vector<1024x128xf32> -> vector<1024x128xf32>
    %swap3A = arith.constant 0 : index
    %swap3A_38 = arith.constant 0 : index
    %swap3A_39 = vector.load %arg4[%swap3A, %swap3A_38] : memref<1024x128xf32, #tpu.memory_space<vmem>>, vector<1024x128xf32>
    tpu.vector_store %arg4[%swap3A, %swap3A_38], %dot_general3A_37 {strides = array<i32>} : memref<1024x128xf32, #tpu.memory_space<vmem>>, vector<1024x128xf32>,
    return
  }
  func.func @transform_0(%arg0: i32) -> (i32, i32, i32, i32) {
    %c0_i32 = arith.constant 0 : i32
    %c0_i32_0 = arith.constant 0 : i32
    %c0_i32_1 = arith.constant 0 : i32
    %c0_i32_2 = arith.constant 0 : i32
    return %c0_i32, %c0_i32_0, %arg0, %c0_i32_1 : i32, i32, i32, i32
  }
  func.func @transform_1(%arg0: i32) -> i32 {
    %c0_i32 = arith.constant 0 : i32
    return %arg0 : i32
  }
  func.func @transform_2(%arg0: i32) -> (i32, i32) {
    %c0_i32 = arith.constant 0 : i32
    %c0_i32_0 = arith.constant 0 : i32
    %c0_i32_1 = arith.constant 0 : i32
    return %c0_i32, %c0_i32_0 : i32, i32
  }
  func.func @transform_3(%arg0: i32) -> (i32, i32) {
    %c0_i32 = arith.constant 0 : i32
    %c0_i32_0 = arith.constant 0 : i32
    return %arg0, %c0_i32 : i32, i32
  }
}

</mosaic_0001>

<sc_bundles>
// kernel: kernel.5.cloned.1.call-start
scs
__scs_entry_jumppad:
0x0: {  	(pc) =	sbr.rel $0x88, $3  }
0x1: {  	(tag) =	ssettag $0x0;
	lr =	simm.s32 $0x1  }
0x2: {  	[smem:$0x3F9C] =	sst lr;
	_ =	strace $0xD0000000  }
0x3: {  	_ = 	snop  }
0x4: {  	_ = 	snop  }
0x5: {  	_ = 	snop  }
0x6: {  	_ = 	snop  }
0x7: {  	_ = 	snop  }
__scs_overlays_trampoline_lowered:
0x8: {  	[smem:$0x3FAB] =	sst s0  }
0x9: {  	[smem:$0x3FAC] =	sst s1  }
0xa: {  	[smem:$0x3FAD] =	sst s2  }
0xb: {  	[smem:$0x3FAE] =	sst s3  }
0xc: {  	[smem:$0x3FAF] =	sst s4  }
0xd: {  	[smem:$0x3FB0] =	sst s5  }
0xe: {  	[smem:$0x3FB1] =	sst s6  }
0xf: {  	[smem:$0x3FB2] =	sst s7  }
0x10: {  	[smem:$0x3FB3] =	sst s8  }
0x11: {  	[smem:$0x3FB4] =	sst s9;
	s0 =	simm.s32 @!p0 $0x0  }
0x12: {  	s1 =	sld [smem:$0x3F9A];
	s0 =	simm.s32 @p0 $0x1  }
0x13: {  	[smem:$0x3FB5] =	sst s0;
	s0 =	simm.s32 @!p1 $0x0  }
0x14: {  	s2 =	sld [smem:$0x3F99];
	s0 =	simm.s32 @p1 $0x1  }
0x15: {  	[smem:$0x3FB6] =	sst s0;
	s0 =	simm.s32 @!p2 $0x0  }
0x16: {  	s3 =	sld [smem:$0x3FDB];
	s0 =	simm.s32 @p2 $0x1  }
0x17: {  	s4 =	simm.s32 $0x1BF5;
	[smem:$0x3FB8] =	sst s0  }
0x18: {  	s0 =	sld [smem:$0x3F9B];
	_ =	swait.ge [sflag:s4], $0x0  }
0x19: {  	s7 =	sld [smem:$0x3F9C]  }
0x1a: {  	s8 =	sadd.s32 $0xFFFFE003, lr  }
0x1b: {  	s9 =	sadd.s32 $0xFFFFFEF7, lr;
	s5 =	simm.s32 $0xFFFFFFFF;
	p2 =	slt.u32 s8, $0xFFFFF086  }
0x1c: {  	p1 =	slt.u32 s9, $0xF7A;
	s5 =	simm.s32 @!p2 $0x0  }
0x1d: {  	s5 =	simm.s32 @p1 $0x1;
	p0 =	seq.s32 s7, s2  }
0x1e: {  	s7 =	smul.u32 @!p0 $0xF7A, s2;
	p2 =	seq.s32 @!p0 s5, $0x0  }
0x1f: {  	s9 =	smul.u32 $0xF7A, s1;
	s8 =	simm.s32 @!p0 $0x1BF5;
	p2 =	por !p2, p0  }
0x20: {  	[sflag:s8] =	ssyncset.s32 @!p0 $0xFFFFF086;
	s6 =	sadd.s32 @!p0 s3, s7;
	s7 =	simm.s32 @!p0 $0x108  }
0x21: {  	s3 =	sadd.s32 s3, s9;
	s6 =	sadd.s32 @!p0 $0x88, s6;
	s7 =	simm.s32 @p2 $0x1082  }
0x22: {  	[simem:s7], [sflag:s8] =	dma.local @!p0 [hbm:s6], $0xF7A  }
0x23: {  	s9 =	sor.u32 $0xD0000000, s2;
	s6 =	simm.s32 $0x108;
	_ =	swait.ge @!p0 [sflag:s8], $0x0  }
0x24: {  	s3 =	sadd.s32 $0x88, s3;
	s6 =	simm.s32 @!p1 $0x1082;
	[sflag:s4] =	ssyncset.s32 $0xFFFFF086  }
0x25: {  	[simem:s6], [sflag:s4] =	dma.local [hbm:s3], $0xF7A  }
0x26: {  	[smem:$0x3F9C] =	sst s1;
	(tag) =	ssettag s2;
	_ =	strace s9  }
0x27: {  	s1 =	sld [smem:$0x3FAC]  }
0x28: {  	s2 =	sld [smem:$0x3FAD]  }
0x29: {  	s4 =	sld [smem:$0x3FAF]  }
0x2a: {  	p0 =	seq.s32 s5, $0x0;
	s5 =	sld [smem:$0x3FB0]  }
0x2b: {  	s6 =	sld [smem:$0x3FB1]  }
0x2c: {  	s7 =	sld [smem:$0x3FB2]  }
0x2d: {  	s3 =	simm.s32 $0x108;
	s8 =	sld [smem:$0x3FB3]  }
0x2e: {  	s3 =	simm.s32 @!p0 $0x1082;
	s9 =	sld [smem:$0x3FB4]  }
0x2f: {  	lr =	sadd.s32 s0, s3;
	s0 =	sld [smem:$0x3FAB]  }
0x30: {  	s3 =	sld [smem:$0x3FAE]  }
0x31: {  	[smem:$0x3FB7] =	sst s10  }
0x32: {  	s10 =	sld [smem:$0x3FB5];
	_ =	sdelay $0x3  }
0x33: {  	p0 =	seq.s32 s10, $0x1;
	s10 =	sld [smem:$0x3FB7];
	_ =	sdelay $0x3  }
0x34: {  	[smem:$0x3FB7] =	sst s10  }
0x35: {  	s10 =	sld [smem:$0x3FB6];
	_ =	sdelay $0x3  }
0x36: {  	p1 =	seq.s32 s10, $0x1;
	s10 =	sld [smem:$0x3FB7];
	_ =	sdelay $0x3  }
0x37: {  	[smem:$0x3FB7] =	sst s10  }
0x38: {  	s10 =	sld [smem:$0x3FB8]  }
0x39: {  	_ = 	snop;
	(pc) =	sbr.ind lr, $3  }
0x3a: {  	_ = 	snop  }
0x3b: {  	_ = 	snop  }
0x3c: {  	p2 =	seq.s32 s10, $0x1;
	s10 =	sld [smem:$0x3FB7]  }
0x3d: {  	_ =	shalt  }
0x3e: {  	_ =	shalt  }
0x3f: {  	_ =	shalt  }
0x40: {  	_ =	shalt  }
0x41: {  	_ =	shalt  }
0x42: {  	_ =	shalt  }
0x43: {  	_ =	shalt  }
0x44: {  	_ =	shalt  }
0x45: {  	_ =	shalt  }
0x46: {  	_ =	shalt  }
0x47: {  	_ =	shalt  }
0x48: {  	_ =	shalt  }
0x49: {  	_ =	shalt  }
0x4a: {  	_ =	shalt  }
0x4b: {  	_ =	shalt  }
0x4c: {  	_ =	shalt  }
0x4d: {  	_ =	shalt  }
0x4e: {  	_ =	shalt  }
0x4f: {  	_ =	shalt  }
0x50: {  	_ =	shalt  }
0x51: {  	_ =	shalt  }
0x52: {  	_ =	shalt  }
0x53: {  	_ =	shalt  }
0x54: {  	_ =	shalt  }
0x55: {  	_ =	shalt  }
0x56: {  	_ =	shalt  }
0x57: {  	_ =	shalt  }
0x58: {  	_ =	shalt  }
0x59: {  	_ =	shalt  }
0x5a: {  	_ =	shalt  }
0x5b: {  	_ =	shalt  }
0x5c: {  	_ =	shalt  }
0x5d: {  	_ =	shalt  }
0x5e: {  	_ =	shalt  }
0x5f: {  	_ =	shalt  }
0x60: {  	_ =	shalt  }
0x61: {  	_ =	shalt  }
0x62: {  	_ =	shalt  }
0x63: {  	_ =	shalt  }
0x64: {  	_ =	shalt  }
0x65: {  	_ =	shalt  }
0x66: {  	_ =	shalt  }
0x67: {  	_ =	shalt  }
0x68: {  	_ =	shalt  }
0x69: {  	_ =	shalt  }
0x6a: {  	_ =	shalt  }
0x6b: {  	_ =	shalt  }
0x6c: {  	_ =	shalt  }
0x6d: {  	_ =	shalt  }
0x6e: {  	_ =	shalt  }
0x6f: {  	_ =	shalt  }
0x70: {  	_ =	shalt  }
0x71: {  	_ =	shalt  }
0x72: {  	_ =	shalt  }
0x73: {  	_ =	shalt  }
0x74: {  	_ =	shalt  }
0x75: {  	_ =	shalt  }
0x76: {  	_ =	shalt  }
0x77: {  	_ =	shalt  }
0x78: {  	_ =	shalt  }
0x79: {  	_ =	shalt  }
0x7a: {  	_ =	shalt  }
0x7b: {  	_ =	shalt  }
0x7c: {  	_ =	shalt  }
0x7d: {  	_ =	shalt  }
0x7e: {  	_ =	shalt  }
0x7f: {  	_ =	shalt  }
0x80: {  	_ =	shalt  }
0x81: {  	_ =	shalt  }
0x82: {  	_ =	shalt  }
0x83: {  	_ =	shalt  }
0x84: {  	_ =	shalt  }
0x85: {  	_ =	shalt  }
0x86: {  	_ =	shalt  }
0x87: {  	_ =	shalt  }
.Lfunc_end0:
.L_simem_size_0:
called_computation_lowered:
.L_overlay_start_0:
0x88: {  	s2 =	sld [smem:$0x3FD9]  }
0x89: {  	s3 =	sld [smem:$0x3FFE];
	_ =	sdelay $0x1  }
0x8a: {  	s1 =	srdreg.scid  }
0x8b: {  	s0 =	sand.u32 $0x1, s1  }
0x8c: {  	s17 =	sshll.u32 s0, $0xA;
	s2 =	sadd.s32 s3, s2  }
0x8d: {  	s2 =	sadd.s32 s2, s17  }
0x8e: {  	[smem:$0x3FC3] =	sst s2  }
0x8f: {  	_ = 	snop  }
0x90: {  	s2 =	sld [smem:$0x3FD0];
	(tm) =	ssettm $0x1  }
0x91: {  	s18 =	sld [smem:$0x3FFB];
	_ =	sdelay $0x3  }
0x92: {  	_ =	strace s18  }
0x93: {  	s3 =	sld [smem:$0x3FFC];
	_ =	sdelay $0x3  }
0x94: {  	_ =	strace s3  }
0x95: {  	s3 =	sld [smem:$0x3FFD];
	_ =	sdelay $0x3  }
0x96: {  	_ =	strace s3  }
0x97: {  	_ =	strace $0x8FFFFFFF  }
0x98: {  	s19 =	sld [smem:$0x3FDB];
	_ =	sdelay $0x1  }
0x99: {  	s4 =	simm.s32 $_scs_section_size  }
0x9a: {  	s5 =	simm.s32 $_size__tile_overlayer_lowered;
	s6 =	simm.s32 $_tile_overlayer_lowered  }
0x9b: {  	s22 =	simm.s32 $0x1BFF;
	s21 =	sshll.u32 s6, $0x1;
	s3 =	sadd.s32 s4, s19  }
0x9c: {  	s7 =	simm.s32 $0x0;
	s20 =	sshll.u32 s5, $0x1;
	s5 =	sadd.s32 s21, s3  }
0x9d: {  	[timem:s7], [sflag:s22] =	dma.local [hbm:s5], s20  }
0x9e: {  	_ =	swait.ge [sflag:s22], s20  }
0x9f: {  	s4 =	ssub.s32 $0x0, s20;
	[sflag:s22] =	ssyncset.done $0x0  }
0xa0: {  	[sflag:s22] =	ssyncadd.s32 s4;
	_ =	sdelay $0x1  }
0xa1: {  	s23 =	simm.s32 $0x1B8B  }
0xa2: {  	_ =	swait.ge [sflag:s23], $0x1  }
0xa3: {  	[sflag:s23] =	ssyncset.done $0x0  }
0xa4: {  	s25 =	simm.s32 $0x1B8E;
	s24 =	sld [smem:$0x3FFE];
	[sflag:s23] =	ssyncadd.s32 $0xFFFFFFFF  }
0xa5: {  	s26 =	simm.s32 $execute0_lowered;
	[smem:$0x3FD2] =	sst s25  }
0xa6: {  	s5 =	sshll.u32 s26, $0x1;
	_ =	strace $0x80000046;
	[dreg:$0x1] =	wrdreg $0xFFFFFFFF  }
0xa7: {  	s28 =	simm.s32 $_size_execute0_lowered;
	s3 =	sadd.s32 s3, s5;
	[dreg:$0x0] =	wrdreg $0x0  }
0xa8: {  	s5 =	sshll.u32 s28, $0x1;
	[dreg:$0x2] =	wrdreg s3  }
0xa9: {  	[dreg:$0x3] =	wrdreg s5  }
0xaa: {  	[dreg:$0x4] =	wrdreg $0xC0  }
0xab: {  	_ =	task [dreg:s7], $0x5FFFF  }
0xac: {  	[dreg:$0x1] =	wrdreg $0xFFFFFFFF  }
0xad: {  	[dreg:$0x0] =	wrdreg $0x60  }
0xae: {  	[dreg:$0x2] =	wrdreg s24  }
0xaf: {  	[dreg:$0x3] =	wrdreg s2  }
0xb0: {  	[dreg:$0x4] =	wrdreg $0x48000  }
0xb1: {  	[dreg:$0x5] =	wrdreg $0x9  }
0xb2: {  	_ =	task.clear_ibuf [dreg:s7], $0x6FFFF;
	_ =	strace $0x90000046  }
0xb3: {  	s29 =	simm.s32 $0x9;
	_ =	strace $0x80000048  }
0xb4: {  	_ =	swait.ge [sflag:s29], $0x1  }
0xb5: {  	[sflag:s29] =	ssyncadd.s32 $0xFFFFFFFF  }
0xb6: {  	_ =	strace $0x90000048  }
0xb7: {  	_ =	sfence  }
0xb8: {  	s30 =	sld [smem:$0x0];
	_ =	sdelay $0x2  }
0xb9: {  	s31 =	sshll.u32 s1, $0xD;
	s1 =	sshrl.u32 s1, $0x2  }
0xba: {  	s3 =	sand.u32 $0x4000, s31;
	s1 =	sadd.s32 s1, s30  }
0xbb: {  	s0 =	sor.u32 s3, s0;
	s1 =	sshll.u32 s1, $0x11  }
0xbc: {  	s0 =	sor.u32 s1, s0  }
0xbd: {  	s0 =	sadd.s32 $0x8F2B, s0  }
0xbe: {  	[sflag:s0] =	ssyncadd.remote.s32 $0x1  }
0xbf: {  	_ =	sfence.sel $0xFFFF  }
0xc0: {  	[dreg:$0x0] =	wrdreg $0xFFFFFFFF;
	(pc) =	sbr.abs _section_cstart, $3  }
0xc1: {  	[dreg:$0x1] =	wrdreg $0xFFFFFFFF  }
0xc2: {  	_ =	task.clear_ibuf [dreg:s7], $0x2FFFF;
	_ =	strace $0x9FFFFFFF  }
0xc3: {  	(tm) =	ssettm $0x7FFFFFFF  }
tec
execute0_lowered:
.L_overlay_start_1:
0x0: {  	(tag) =	ssettag $0x1  }
0x1: {  	s8 =	rddreg [dreg:$0x0]  }
0x2: {  	s15 =	rddreg [dreg:$0x1];
	s0 =	srdreg.scid  }
0x3: {  	s2 =	rddreg [dreg:$0x2];
	s1 =	stileid.u32;
	s3 =	simm.s32 $0x0  }
0x4: {  	s20 =	simm.s32 $0x800;
	s21 =	simm.s32 $0x1;
	s22 =	simm.s32 $0x2  }
0x5: {  	s9 =	sand.u32 $0x1, s0;
	s0 =	rddreg [dreg:$0x3];
	s12 =	smul.u32 $0x18700, s1  }
0x6: {  	s23 =	simm.s32 $0x0;
	[smem:$0x7FF] =	sst s3;
	s10 =	smul.u32 $0x1870, s1  }
0x7: {  	s4 =	sadd.s32 $0x62800, s8;
	s5 =	sadd.s32 $0x31A00, s8;
	s18 =	smul.u32 $0x1880, s1  }
0x8: {  	s6 =	sadd.s32 $0xC00, s8;
	s7 =	sadd.s32 $0x494A00, s8;
	s16 =	smul.u32 $0x18800, s9  }
0x9: {  	s30 =	sshll.u32 s1, $0x6;
	s11 =	smul.u32 $0x18700, s9;
	s9 =	ssub.s32 $0x2, s9  }
0xa: {  	_ =	strace $0x80000047;
	s13 =	sshrl.u32 s12, $0x3;
	s29 =	sshrl.u32 s9, $0x1  }
0xb: {  	s19 =	sadd.s32 s12, s2;
	s17 =	sadd.s32 s16, s8;
	s10 =	sadd.s32 s10, s11  }
0xc: {  	s26 =	sadd.s32 s13, s8;
	s14 =	ssub.s32 s9, s29;
	s9 =	sor.u32 $0x1C03, s30  }
0xd: {  	s15 =	sadd.s32 s16, s15;
	s10 =	sshll.u32 s10, $0x1;
	s14 =	smax.u32 s14, $0x1  }
0xe: {  	s31 =	sadd.s32 s18, s17;
	s15 =	sadd.s32 s18, s15;
	s17 =	sshrl.u32 s19, $0x3  }
0xf: {  	s19 =	simm.s32 $0x400;
	s28 =	sadd.s32 s10, s8;
	s8 =	sadd.s32 $0xC4600, s26  }
0x10: {  	s16 =	sadd.s32 $0x93600, s31;
	s10 =	sadd.s32 $0xF5400, s28;
	s11 =	sadd.s32 $0x157000, s28  }
0x11: {  	s18 =	simm.s32 $0x3;
	s12 =	sadd.s32 $0x1B8C00, s28;
	s13 =	sadd.s32 $0x21A800, s28  }
.LBB2_1:
0x12: {  	[spmem:s17], [sflag:s9] =	dma.local [hbm:s8], $0x30E0  }
0x13: {  	_ =	swait.ge [sflag:s18], $0x30E0  }
0x14: {  	[sflag:s18] =	ssyncset.done $0x0  }
0x15: {  	[sflag:s18] =	ssyncadd.s32 $0xFFFFCF20  }
0x16: {  	s24 =	sadd.s32 $0x0, s15;
	[bflag:$0x0] =	sbarrier.arrive $0xFFFF  }
0x17: {  	[tilespmem:s3], [sflag:$0x3] =	stream.linear.gather [hbm4b:s24+s3], $0x400, $0x38;
	[tilespmem:$0x1CF00] =	vst v63  }
0x18: {  	_ =	swait.ge [sflag:s18], $0x400  }
0x19: {  	[sflag:s18] =	ssyncset.done $0x0  }
0x1a: {  	s31 =	sadd.s32 $0x0, s16;
	[sflag:s18] =	ssyncadd.s32 $0xFFFFFC00  }
0x1b: {  	[tilespmem:s19], [sflag:$0x3] =	stream.linear.gather [hbm4b:s31+s3], $0x400, $0x38;
	[tilespmem:$0x1CF00] =	vst v63  }
0x1c: {  	_ =	swait.ge [sflag:s18], $0x400  }
0x1d: {  	[sflag:s18] =	ssyncset.done $0x0  }
0x1e: {  	[sflag:s18] =	ssyncadd.s32 $0xFFFFFC00  }
0x1f: {  	[tilespmem:s20], [sflag:$0x1] =	stream.indirect.gather [hbm4b:s4+s19], $0x10, s3, s19, $0xb8;
	[tilespmem:$0x1CF00] =	vst v63  }
0x20: {  	_ =	swait.ge [sflag:s21], $0x4000  }
0x21: {  	[sflag:s21] =	ssyncset.done $0x0  }
0x22: {  	[sflag:s21] =	ssyncadd.s32 $0xFFFFC000  }
0x23: {  	[spmem:s2] =	stream.indirect.scatter.add.f32 [tilespmem:s20], [sflag:$0x2], $0x10, s19, s19, $0xb8;
	[tilespmem:$0x1CF00] =	vst v63  }
0x24: {  	_ =	swait.ge [sflag:s22], $0x4000  }
0x25: {  	s25 =	simm.s32 $0x100;
	s24 =	simm.s32 $0x80;
	[sflag:s22] =	ssyncset.done $0x0  }
.LBB2_2:
0x26: {  	s26 =	sadd.s32 s24, s15  }
0x27: {  	[sflag:s22] =	ssyncadd.s32 $0xFFFFC000;
	s28 =	smov.u32 s25;
	s29 =	sadd.s32 $0x80, s25  }
0x28: {  	[tilespmem:s3], [sflag:$0x3] =	stream.linear.gather [hbm4b:s26+s3], $0x400, $0x38;
	[tilespmem:$0x1CF00] =	vst v63  }
0x29: {  	p0 =	sne.s32 s25, $0x1800;
	_ =	swait.ge [sflag:s18], $0x400  }
0x2a: {  	[sflag:s18] =	ssyncset.done $0x0  }
0x2b: {  	s25 =	sadd.s32 s24, s16;
	s24 =	smov.u32 s28;
	[sflag:s18] =	ssyncadd.s32 $0xFFFFFC00  }
0x2c: {  	[tilespmem:s19], [sflag:$0x3] =	stream.linear.gather [hbm4b:s25+s3], $0x400, $0x38;
	[tilespmem:$0x1CF00] =	vst v63  }
0x2d: {  	_ =	swait.ge [sflag:s18], $0x400  }
0x2e: {  	[sflag:s18] =	ssyncset.done $0x0  }
0x2f: {  	[sflag:s18] =	ssyncadd.s32 $0xFFFFFC00  }
0x30: {  	[tilespmem:s20], [sflag:$0x1] =	stream.indirect.gather [hbm4b:s4+s19], $0x10, s3, s19, $0xb8;
	[tilespmem:$0x1CF00] =	vst v63  }
0x31: {  	_ =	swait.ge [sflag:s21], $0x4000  }
.Ltmp0:
0x32: {  	[sflag:s21] =	ssyncset.done $0x0;
	(pc) =	sbr.rel @p0 .LBB2_2-.Ltmp0, $4  }
0x33: {  	[sflag:s21] =	ssyncadd.s32 $0xFFFFC000  }
0x34: {  	[spmem:s2] =	stream.indirect.scatter.add.f32 [tilespmem:s20], [sflag:$0x2], $0x10, s19, s19, $0xb8;
	[tilespmem:$0x1CF00] =	vst v63  }
0x35: {  	_ =	swait.ge [sflag:s22], $0x4000  }
0x36: {  	s25 =	smov.u32 s29;
	[sflag:s22] =	ssyncset.done $0x0  }
0x37: {  	s25 =	sadd.s32 s24, s15;
	[sflag:s22] =	ssyncadd.s32 $0xFFFFC000  }
0x38: {  	[tilespmem:s3], [sflag:$0x3] =	stream.linear.gather [hbm4b:s25+s3], $0x400, $0x38;
	[tilespmem:$0x1CF00] =	vst v63  }
0x39: {  	_ =	swait.ge [sflag:s18], $0x400  }
0x3a: {  	[sflag:s18] =	ssyncset.done $0x0  }
0x3b: {  	s29 =	sadd.s32 s24, s16;
	[sflag:s18] =	ssyncadd.s32 $0xFFFFFC00  }
0x3c: {  	[tilespmem:s19], [sflag:$0x3] =	stream.linear.gather [hbm4b:s29+s3], $0x400, $0x38;
	[tilespmem:$0x1CF00] =	vst v63  }
0x3d: {  	_ =	swait.ge [sflag:s18], $0x400  }
0x3e: {  	[sflag:s18] =	ssyncset.done $0x0  }
0x3f: {  	[sflag:s18] =	ssyncadd.s32 $0xFFFFFC00  }
0x40: {  	[tilespmem:s20], [sflag:$0x1] =	stream.indirect.gather [hbm4b:s4+s19], $0x10, s3, s19, $0xb8;
	[tilespmem:$0x1CF00] =	vst v63  }
0x41: {  	_ =	swait.ge [sflag:s21], $0x4000  }
0x42: {  	[sflag:s21] =	ssyncset.done $0x0  }
0x43: {  	[sflag:s21] =	ssyncadd.s32 $0xFFFFC000  }
0x44: {  	[spmem:s2] =	stream.indirect.scatter.add.f32 [tilespmem:s20], [sflag:$0x2], $0x10, s19, s19, $0xb8;
	[tilespmem:$0x1CF00] =	vst v63  }
0x45: {  	_ =	swait.ge [sflag:s22], $0x4000  }
0x46: {  	[sflag:s22] =	ssyncset.done $0x0  }
0x47: {  	[sflag:s22] =	ssyncadd.s32 $0xFFFFC000  }
0x48: {  	[bflag:$0x0] =	sbarrier.arrive $0xFFFF  }
0x49: {  	[hbm:s10], [sflag:s9] =	dma.local [spmem:s17], $0x30E0  }
0x4a: {  	_ =	swait.ge [sflag:s18], $0x30E0  }
0x4b: {  	[sflag:s18] =	ssyncset.done $0x0  }
0x4c: {  	[sflag:s18] =	ssyncadd.s32 $0xFFFFCF20  }
0x4d: {  	[bflag:$0x0] =	sbarrier.arrive $0xFFFF  }
0x4e: {  	[spmem:s17], [sflag:s9] =	dma.local [hbm:s8], $0x30E0  }
0x4f: {  	_ =	swait.ge [sflag:s18], $0x30E0  }
0x50: {  	[sflag:s18] =	ssyncset.done $0x0  }
0x51: {  	[sflag:s18] =	ssyncadd.s32 $0xFFFFCF20  }
0x52: {  	s30 =	sadd.s32 $0x0, s15;
	[bflag:$0x0] =	sbarrier.arrive $0xFFFF  }
0x53: {  	[tilespmem:s3], [sflag:$0x3] =	stream.linear.gather [hbm4b:s30+s3], $0x400, $0x38;
	[tilespmem:$0x1CF00] =	vst v63  }
0x54: {  	_ =	swait.ge [sflag:s18], $0x400  }
0x55: {  	[sflag:s18] =	ssyncset.done $0x0  }
0x56: {  	s31 =	sadd.s32 $0x0, s16;
	[sflag:s18] =	ssyncadd.s32 $0xFFFFFC00  }
0x57: {  	[tilespmem:s19], [sflag:$0x3] =	stream.linear.gather [hbm4b:s31+s3], $0x400, $0x38;
	[tilespmem:$0x1CF00] =	vst v63  }
0x58: {  	_ =	swait.ge [sflag:s18], $0x400  }
0x59: {  	[sflag:s18] =	ssyncset.done $0x0  }
0x5a: {  	[sflag:s18] =	ssyncadd.s32 $0xFFFFFC00  }
0x5b: {  	[tilespmem:s20], [sflag:$0x1] =	stream.indirect.gather [hbm4b:s5+s19], $0x10, s3, s19, $0xb8;
	[tilespmem:$0x1CF00] =	vst v63  }
0x5c: {  	_ =	swait.ge [sflag:s21], $0x4000  }
0x5d: {  	[sflag:s21] =	ssyncset.done $0x0  }
0x5e: {  	[sflag:s21] =	ssyncadd.s32 $0xFFFFC000  }
0x5f: {  	[spmem:s2] =	stream.indirect.scatter.add.f32 [tilespmem:s20], [sflag:$0x2], $0x10, s19, s19, $0xb8;
	[tilespmem:$0x1CF00] =	vst v63  }
0x60: {  	_ =	swait.ge [sflag:s22], $0x4000  }
0x61: {  	s24 =	simm.s32 $0x80;
	s25 =	simm.s32 $0x100;
	[sflag:s22] =	ssyncset.done $0x0  }
.LBB2_4:
0x62: {  	s26 =	sadd.s32 s24, s15  }
0x63: {  	[sflag:s22] =	ssyncadd.s32 $0xFFFFC000;
	s28 =	smov.u32 s25;
	s29 =	sadd.s32 $0x80, s25  }
0x64: {  	[tilespmem:s3], [sflag:$0x3] =	stream.linear.gather [hbm4b:s26+s3], $0x400, $0x38;
	[tilespmem:$0x1CF00] =	vst v63  }
0x65: {  	p0 =	sne.s32 s25, $0x1800;
	_ =	swait.ge [sflag:s18], $0x400  }
0x66: {  	[sflag:s18] =	ssyncset.done $0x0  }
0x67: {  	s25 =	sadd.s32 s24, s16;
	s24 =	smov.u32 s28;
	[sflag:s18] =	ssyncadd.s32 $0xFFFFFC00  }
0x68: {  	[tilespmem:s19], [sflag:$0x3] =	stream.linear.gather [hbm4b:s25+s3], $0x400, $0x38;
	[tilespmem:$0x1CF00] =	vst v63  }
0x69: {  	_ =	swait.ge [sflag:s18], $0x400  }
0x6a: {  	[sflag:s18] =	ssyncset.done $0x0  }
0x6b: {  	[sflag:s18] =	ssyncadd.s32 $0xFFFFFC00  }
0x6c: {  	[tilespmem:s20], [sflag:$0x1] =	stream.indirect.gather [hbm4b:s5+s19], $0x10, s3, s19, $0xb8;
	[tilespmem:$0x1CF00] =	vst v63  }
0x6d: {  	_ =	swait.ge [sflag:s21], $0x4000  }
.Ltmp1:
0x6e: {  	[sflag:s21] =	ssyncset.done $0x0;
	(pc) =	sbr.rel @p0 .LBB2_4-.Ltmp1, $4  }
0x6f: {  	[sflag:s21] =	ssyncadd.s32 $0xFFFFC000  }
0x70: {  	[spmem:s2] =	stream.indirect.scatter.add.f32 [tilespmem:s20], [sflag:$0x2], $0x10, s19, s19, $0xb8;
	[tilespmem:$0x1CF00] =	vst v63  }
0x71: {  	_ =	swait.ge [sflag:s22], $0x4000  }
0x72: {  	s25 =	smov.u32 s29;
	[sflag:s22] =	ssyncset.done $0x0  }
0x73: {  	s25 =	sadd.s32 s24, s15;
	[sflag:s22] =	ssyncadd.s32 $0xFFFFC000  }
0x74: {  	[tilespmem:s3], [sflag:$0x3] =	stream.linear.gather [hbm4b:s25+s3], $0x400, $0x38;
	[tilespmem:$0x1CF00] =	vst v63  }
0x75: {  	_ =	swait.ge [sflag:s18], $0x400  }
0x76: {  	[sflag:s18] =	ssyncset.done $0x0  }
0x77: {  	s29 =	sadd.s32 s24, s16;
	[sflag:s18] =	ssyncadd.s32 $0xFFFFFC00  }
0x78: {  	[tilespmem:s19], [sflag:$0x3] =	stream.linear.gather [hbm4b:s29+s3], $0x400, $0x38;
	[tilespmem:$0x1CF00] =	vst v63  }
0x79: {  	_ =	swait.ge [sflag:s18], $0x400  }
0x7a: {  	[sflag:s18] =	ssyncset.done $0x0  }
0x7b: {  	[sflag:s18] =	ssyncadd.s32 $0xFFFFFC00  }
0x7c: {  	[tilespmem:s20], [sflag:$0x1] =	stream.indirect.gather [hbm4b:s5+s19], $0x10, s3, s19, $0xb8;
	[tilespmem:$0x1CF00] =	vst v63  }
0x7d: {  	_ =	swait.ge [sflag:s21], $0x4000  }
0x7e: {  	[sflag:s21] =	ssyncset.done $0x0  }
0x7f: {  	[sflag:s21] =	ssyncadd.s32 $0xFFFFC000  }
0x80: {  	[spmem:s2] =	stream.indirect.scatter.add.f32 [tilespmem:s20], [sflag:$0x2], $0x10, s19, s19, $0xb8;
	[tilespmem:$0x1CF00] =	vst v63  }
0x81: {  	_ =	swait.ge [sflag:s22], $0x4000  }
0x82: {  	[sflag:s22] =	ssyncset.done $0x0  }
0x83: {  	[sflag:s22] =	ssyncadd.s32 $0xFFFFC000  }
0x84: {  	[bflag:$0x0] =	sbarrier.arrive $0xFFFF  }
0x85: {  	[hbm:s11], [sflag:s9] =	dma.local [spmem:s17], $0x30E0  }
0x86: {  	_ =	swait.ge [sflag:s18], $0x30E0  }
0x87: {  	[sflag:s18] =	ssyncset.done $0x0  }
0x88: {  	[sflag:s18] =	ssyncadd.s32 $0xFFFFCF20  }
0x89: {  	[bflag:$0x0] =	sbarrier.arrive $0xFFFF  }
0x8a: {  	[spmem:s17], [sflag:s9] =	dma.local [hbm:s8], $0x30E0  }
0x8b: {  	_ =	swait.ge [sflag:s18], $0x30E0  }
0x8c: {  	[sflag:s18] =	ssyncset.done $0x0  }
0x8d: {  	[sflag:s18] =	ssyncadd.s32 $0xFFFFCF20  }
0x8e: {  	s30 =	sadd.s32 $0x0, s15;
	[bflag:$0x0] =	sbarrier.arrive $0xFFFF  }
0x8f: {  	[tilespmem:s3], [sflag:$0x3] =	stream.linear.gather [hbm4b:s30+s3], $0x400, $0x38;
	[tilespmem:$0x1CF00] =	vst v63  }
0x90: {  	_ =	swait.ge [sflag:s18], $0x400  }
0x91: {  	[sflag:s18] =	ssyncset.done $0x0  }
0x92: {  	s31 =	sadd.s32 $0x0, s16;
	[sflag:s18] =	ssyncadd.s32 $0xFFFFFC00  }
0x93: {  	[tilespmem:s19], [sflag:$0x3] =	stream.linear.gather [hbm4b:s31+s3], $0x400, $0x38;
	[tilespmem:$0x1CF00] =	vst v63  }
0x94: {  	_ =	swait.ge [sflag:s18], $0x400  }
0x95: {  	[sflag:s18] =	ssyncset.done $0x0  }
0x96: {  	[sflag:s18] =	ssyncadd.s32 $0xFFFFFC00  }
0x97: {  	[tilespmem:s20], [sflag:$0x1] =	stream.indirect.gather [hbm4b:s6+s19], $0x10, s3, s19, $0xb8;
	[tilespmem:$0x1CF00] =	vst v63  }
0x98: {  	_ =	swait.ge [sflag:s21], $0x4000  }
0x99: {  	[sflag:s21] =	ssyncset.done $0x0  }
0x9a: {  	[sflag:s21] =	ssyncadd.s32 $0xFFFFC000  }
0x9b: {  	[spmem:s2] =	stream.indirect.scatter.add.f32 [tilespmem:s20], [sflag:$0x2], $0x10, s19, s19, $0xb8;
	[tilespmem:$0x1CF00] =	vst v63  }
0x9c: {  	_ =	swait.ge [sflag:s22], $0x4000  }
0x9d: {  	s24 =	simm.s32 $0x80;
	s25 =	simm.s32 $0x100;
	[sflag:s22] =	ssyncset.done $0x0  }
.LBB2_6:
0x9e: {  	s26 =	sadd.s32 s24, s15  }
0x9f: {  	[sflag:s22] =	ssyncadd.s32 $0xFFFFC000;
	s28 =	smov.u32 s25;
	s29 =	sadd.s32 $0x80, s25  }
0xa0: {  	[tilespmem:s3], [sflag:$0x3] =	stream.linear.gather [hbm4b:s26+s3], $0x400, $0x38;
	[tilespmem:$0x1CF00] =	vst v63  }
0xa1: {  	p0 =	sne.s32 s25, $0x1800;
	_ =	swait.ge [sflag:s18], $0x400  }
0xa2: {  	[sflag:s18] =	ssyncset.done $0x0  }
0xa3: {  	s25 =	sadd.s32 s24, s16;
	s24 =	smov.u32 s28;
	[sflag:s18] =	ssyncadd.s32 $0xFFFFFC00  }
0xa4: {  	[tilespmem:s19], [sflag:$0x3] =	stream.linear.gather [hbm4b:s25+s3], $0x400, $0x38;
	[tilespmem:$0x1CF00] =	vst v63  }
0xa5: {  	_ =	swait.ge [sflag:s18], $0x400  }
0xa6: {  	[sflag:s18] =	ssyncset.done $0x0  }
0xa7: {  	[sflag:s18] =	ssyncadd.s32 $0xFFFFFC00  }
0xa8: {  	[tilespmem:s20], [sflag:$0x1] =	stream.indirect.gather [hbm4b:s6+s19], $0x10, s3, s19, $0xb8;
	[tilespmem:$0x1CF00] =	vst v63  }
0xa9: {  	_ =	swait.ge [sflag:s21], $0x4000  }
.Ltmp2:
0xaa: {  	[sflag:s21] =	ssyncset.done $0x0;
	(pc) =	sbr.rel @p0 .LBB2_6-.Ltmp2, $4  }
0xab: {  	[sflag:s21] =	ssyncadd.s32 $0xFFFFC000  }
0xac: {  	[spmem:s2] =	stream.indirect.scatter.add.f32 [tilespmem:s20], [sflag:$0x2], $0x10, s19, s19, $0xb8;
	[tilespmem:$0x1CF00] =	vst v63  }
0xad: {  	_ =	swait.ge [sflag:s22], $0x4000  }
0xae: {  	s25 =	smov.u32 s29;
	[sflag:s22] =	ssyncset.done $0x0  }
0xaf: {  	s25 =	sadd.s32 s24, s15;
	[sflag:s22] =	ssyncadd.s32 $0xFFFFC000  }
0xb0: {  	[tilespmem:s3], [sflag:$0x3] =	stream.linear.gather [hbm4b:s25+s3], $0x400, $0x38;
	[tilespmem:$0x1CF00] =	vst v63  }
0xb1: {  	_ =	swait.ge [sflag:s18], $0x400  }
0xb2: {  	[sflag:s18] =	ssyncset.done $0x0  }
0xb3: {  	s29 =	sadd.s32 s24, s16;
	[sflag:s18] =	ssyncadd.s32 $0xFFFFFC00  }
0xb4: {  	[tilespmem:s19], [sflag:$0x3] =	stream.linear.gather [hbm4b:s29+s3], $0x400, $0x38;
	[tilespmem:$0x1CF00] =	vst v63  }
0xb5: {  	_ =	swait.ge [sflag:s18], $0x400  }
0xb6: {  	[sflag:s18] =	ssyncset.done $0x0  }
0xb7: {  	[sflag:s18] =	ssyncadd.s32 $0xFFFFFC00  }
0xb8: {  	[tilespmem:s20], [sflag:$0x1] =	stream.indirect.gather [hbm4b:s6+s19], $0x10, s3, s19, $0xb8;
	[tilespmem:$0x1CF00] =	vst v63  }
0xb9: {  	_ =	swait.ge [sflag:s21], $0x4000  }
0xba: {  	[sflag:s21] =	ssyncset.done $0x0  }
0xbb: {  	[sflag:s21] =	ssyncadd.s32 $0xFFFFC000  }
0xbc: {  	[spmem:s2] =	stream.indirect.scatter.add.f32 [tilespmem:s20], [sflag:$0x2], $0x10, s19, s19, $0xb8;
	[tilespmem:$0x1CF00] =	vst v63  }
0xbd: {  	_ =	swait.ge [sflag:s22], $0x4000  }
0xbe: {  	[sflag:s22] =	ssyncset.done $0x0  }
0xbf: {  	[sflag:s22] =	ssyncadd.s32 $0xFFFFC000  }
0xc0: {  	[bflag:$0x0] =	sbarrier.arrive $0xFFFF  }
0xc1: {  	[hbm:s12], [sflag:s9] =	dma.local [spmem:s17], $0x30E0  }
0xc2: {  	_ =	swait.ge [sflag:s18], $0x30E0  }
0xc3: {  	[sflag:s18] =	ssyncset.done $0x0  }
0xc4: {  	[sflag:s18] =	ssyncadd.s32 $0xFFFFCF20  }
0xc5: {  	[bflag:$0x0] =	sbarrier.arrive $0xFFFF  }
0xc6: {  	[spmem:s17], [sflag:s9] =	dma.local [hbm:s8], $0x30E0  }
0xc7: {  	_ =	swait.ge [sflag:s18], $0x30E0  }
0xc8: {  	[sflag:s18] =	ssyncset.done $0x0  }
0xc9: {  	[sflag:s18] =	ssyncadd.s32 $0xFFFFCF20  }
0xca: {  	s30 =	sadd.s32 $0x0, s15;
	[bflag:$0x0] =	sbarrier.arrive $0xFFFF  }
0xcb: {  	[tilespmem:s3], [sflag:$0x3] =	stream.linear.gather [hbm4b:s30+s3], $0x400, $0x38;
	[tilespmem:$0x1CF00] =	vst v63  }
0xcc: {  	_ =	swait.ge [sflag:s18], $0x400  }
0xcd: {  	[sflag:s18] =	ssyncset.done $0x0  }
0xce: {  	s31 =	sadd.s32 $0x0, s16;
	[sflag:s18] =	ssyncadd.s32 $0xFFFFFC00  }
0xcf: {  	[tilespmem:s19], [sflag:$0x3] =	stream.linear.gather [hbm4b:s31+s3], $0x400, $0x38;
	[tilespmem:$0x1CF00] =	vst v63  }
0xd0: {  	_ =	swait.ge [sflag:s18], $0x400  }
0xd1: {  	[sflag:s18] =	ssyncset.done $0x0  }
0xd2: {  	[sflag:s18] =	ssyncadd.s32 $0xFFFFFC00  }
0xd3: {  	[tilespmem:s20], [sflag:$0x1] =	stream.indirect.gather [hbm4b:s7+s19], $0x10, s3, s19, $0xb8;
	[tilespmem:$0x1CF00] =	vst v63  }
0xd4: {  	_ =	swait.ge [sflag:s21], $0x4000  }
0xd5: {  	[sflag:s21] =	ssyncset.done $0x0  }
0xd6: {  	[sflag:s21] =	ssyncadd.s32 $0xFFFFC000  }
0xd7: {  	[spmem:s2] =	stream.indirect.scatter.add.f32 [tilespmem:s20], [sflag:$0x2], $0x10, s19, s19, $0xb8;
	[tilespmem:$0x1CF00] =	vst v63  }
0xd8: {  	_ =	swait.ge [sflag:s22], $0x4000  }
0xd9: {  	s24 =	simm.s32 $0x80;
	s25 =	simm.s32 $0x100;
	[sflag:s22] =	ssyncset.done $0x0  }
.LBB2_8:
0xda: {  	s26 =	sadd.s32 s24, s15  }
0xdb: {  	[sflag:s22] =	ssyncadd.s32 $0xFFFFC000;
	s28 =	smov.u32 s25;
	s29 =	sadd.s32 $0x80, s25  }
0xdc: {  	[tilespmem:s3], [sflag:$0x3] =	stream.linear.gather [hbm4b:s26+s3], $0x400, $0x38;
	[tilespmem:$0x1CF00] =	vst v63  }
0xdd: {  	p0 =	sne.s32 s25, $0x1800;
	_ =	swait.ge [sflag:s18], $0x400  }
0xde: {  	[sflag:s18] =	ssyncset.done $0x0  }
0xdf: {  	s25 =	sadd.s32 s24, s16;
	s24 =	smov.u32 s28;
	[sflag:s18] =	ssyncadd.s32 $0xFFFFFC00  }
0xe0: {  	[tilespmem:s19], [sflag:$0x3] =	stream.linear.gather [hbm4b:s25+s3], $0x400, $0x38;
	[tilespmem:$0x1CF00] =	vst v63  }
0xe1: {  	_ =	swait.ge [sflag:s18], $0x400  }
0xe2: {  	[sflag:s18] =	ssyncset.done $0x0  }
0xe3: {  	[sflag:s18] =	ssyncadd.s32 $0xFFFFFC00  }
0xe4: {  	[tilespmem:s20], [sflag:$0x1] =	stream.indirect.gather [hbm4b:s7+s19], $0x10, s3, s19, $0xb8;
	[tilespmem:$0x1CF00] =	vst v63  }
0xe5: {  	_ =	swait.ge [sflag:s21], $0x4000  }
.Ltmp3:
0xe6: {  	[sflag:s21] =	ssyncset.done $0x0;
	(pc) =	sbr.rel @p0 .LBB2_8-.Ltmp3, $4  }
0xe7: {  	[sflag:s21] =	ssyncadd.s32 $0xFFFFC000  }
0xe8: {  	[spmem:s2] =	stream.indirect.scatter.add.f32 [tilespmem:s20], [sflag:$0x2], $0x10, s19, s19, $0xb8;
	[tilespmem:$0x1CF00] =	vst v63  }
0xe9: {  	_ =	swait.ge [sflag:s22], $0x4000  }
0xea: {  	s25 =	smov.u32 s29;
	[sflag:s22] =	ssyncset.done $0x0  }
0xeb: {  	s25 =	sadd.s32 s24, s15;
	[sflag:s22] =	ssyncadd.s32 $0xFFFFC000  }
0xec: {  	[tilespmem:s3], [sflag:$0x3] =	stream.linear.gather [hbm4b:s25+s3], $0x400, $0x38;
	[tilespmem:$0x1CF00] =	vst v63  }
0xed: {  	_ =	swait.ge [sflag:s18], $0x400  }
0xee: {  	[sflag:s18] =	ssyncset.done $0x0  }
0xef: {  	s31 =	sadd.s32 s24, s16;
	[sflag:s18] =	ssyncadd.s32 $0xFFFFFC00  }
0xf0: {  	[tilespmem:s19], [sflag:$0x3] =	stream.linear.gather [hbm4b:s31+s3], $0x400, $0x38;
	[tilespmem:$0x1CF00] =	vst v63  }
0xf1: {  	_ =	swait.ge [sflag:s18], $0x400  }
0xf2: {  	[sflag:s18] =	ssyncset.done $0x0  }
0xf3: {  	[sflag:s18] =	ssyncadd.s32 $0xFFFFFC00  }
0xf4: {  	[tilespmem:s20], [sflag:$0x1] =	stream.indirect.gather [hbm4b:s7+s19], $0x10, s3, s19, $0xb8;
	[tilespmem:$0x1CF00] =	vst v63  }
0xf5: {  	_ =	swait.ge [sflag:s21], $0x4000  }
0xf6: {  	[sflag:s21] =	ssyncset.done $0x0  }
0xf7: {  	[sflag:s21] =	ssyncadd.s32 $0xFFFFC000  }
0xf8: {  	[spmem:s2] =	stream.indirect.scatter.add.f32 [tilespmem:s20], [sflag:$0x2], $0x10, s19, s19, $0xb8;
	[tilespmem:$0x1CF00] =	vst v63  }
0xf9: {  	_ =	swait.ge [sflag:s22], $0x4000  }
0xfa: {  	[sflag:s22] =	ssyncset.done $0x0  }
0xfb: {  	s23 =	sadd.s32 $0x1, s23;
	[sflag:s22] =	ssyncadd.s32 $0xFFFFC000  }
0xfc: {  	p0 =	sne.s32 s23, s14;
	[bflag:$0x0] =	sbarrier.arrive $0xFFFF  }
0xfd: {  	[hbm:s13], [sflag:s9] =	dma.local [spmem:s17], $0x30E0  }
.Ltmp4:
0xfe: {  	_ =	swait.ge [sflag:s18], $0x30E0;
	(pc) =	sbr.rel @p0 .LBB2_1-.Ltmp4, $3  }
0xff: {  	[sflag:s18] =	ssyncset.done $0x0  }
0x100: {  	[sflag:s18] =	ssyncadd.s32 $0xFFFFCF20  }
0x101: {  	[bflag:$0x0] =	sbarrier.arrive $0xFFFF;
	_ =	sdelay $0x1  }
0x102: {  	_ =	sfence.sel $0x180000  }
0x103: {  	[bflag:$0x0] =	sbarrier.arrive $0xFFFF  }
0x104: {  	p0 =	sne.s32 s1, $0x0;
	_ =	strace $0x90000047  }
0x105: {  	s0 =	sadd.s32 @!p0 $0x100000, s0;
	[bflag:$0x2] =	sbarrier.arrive $0xFFFF  }
0x106: {  	[sflag:s0] =	ssyncadd.tile.s32 @!p0 $0x1;
	_ =	shalt  }
.Lfunc_end2:
_tile_overlayer_lowered:
.L_overlay_start_2:
0x107: {  	(tag) =	ssettag $0x2  }
0x108: {  	s0 =	rddreg [dreg:$0x0];
	s2 =	stileid.u32  }
0x109: {  	s1 =	rddreg [dreg:$0x1];
	p0 =	sne.s32 s2, $0x0  }
0x10a: {  	s3 =	rddreg [dreg:$0x2];
	[bflag:$0x3] =	sbarrier.arrive $0xFFFF;
	s2 =	simm.s32 @!p0 $0x1C03  }
0x10b: {  	[timem:s3], [sflag:s2] =	dma.local @!p0 [hbm:s0], s1  }
0x10c: {  	s0 =	simm.s32 @!p0 $0x3  }
0x10d: {  	_ =	swait.ge @!p0 [sflag:s0], s1  }
0x10e: {  	s1 =	ssub.s32 @!p0 $0x0, s1;
	[sflag:s0] =	ssyncset.done @!p0 $0x0  }
0x10f: {  	[sflag:s0] =	ssyncadd.s32 @!p0 s1  }
0x110: {  	[bflag:$0x3] =	sbarrier.arrive $0xFFFF  }
0x111: {  	_ =	shalt  }

</sc_bundles>
